<compile_context>
chip_gen: v7x
topology: tpu7x:2x2x1
jax: 0.10.2.dev20260603
libtpu: 0.0.44.dev20260713+nightly
codegen_flags: <defaults>
</compile_context>

<pallas_src>
import jax
import jax.numpy as jnp
from jax import lax
from jax.experimental import pallas as pl
from jax.experimental.pallas import tpu as pltpu
from jax.experimental.pallas import tpu_sc as plsc

_NUM_SAMPLES = 32
_C = 3
_T = 128
_ROW = 256 * 256
_NW = 32
_ROWS_PER_W = (_C * _NUM_SAMPLES) // _NW
_CH = 16384
_NCH = _ROW // _CH
_NBUF = 7
_NCHUNKS = _ROWS_PER_W * _NCH


def _body(x_ref, o_ref, buf, rsem, wsem):
    w = lax.axis_index("s") * 2 + lax.axis_index("c")
    chunks = []
    for k in range(_ROWS_PER_W):
        r = w * _ROWS_PER_W + k
        c = r // _NUM_SAMPLES
        j = r % _NUM_SAMPLES
        t = (j * (_T - 1)) // (_NUM_SAMPLES - 1)
        src = c * _T + t
        for h in range(_NCH):
            chunks.append((src, r, h * _CH))

    def read(i):
        src, _, off = chunks[i]
        b = i % _NBUF
        return pltpu.async_copy(
            x_ref.at[src, pl.ds(off, _CH)],
            buf.at[pl.ds(b * _CH, _CH)], rsem.at[b])

    reads = [None] * _NCHUNKS
    writes = [None] * _NCHUNKS
    for i in range(min(_NBUF, _NCHUNKS)):
        reads[i] = read(i)
    for i in range(_NCHUNKS):
        _, r, off = chunks[i]
        b = i % _NBUF
        reads[i].wait()
        writes[i] = pltpu.async_copy(
            buf.at[pl.ds(b * _CH, _CH)],
            o_ref.at[r, pl.ds(off, _CH)], wsem.at[b])
        ni = i + _NBUF
        if ni < _NCHUNKS:
            writes[i].wait()
            writes[i] = None
            reads[ni] = read(ni)
    for wr in writes:
        if wr is not None:
            wr.wait()


def kernel(x):
    xf = x.reshape(_C * _T, _ROW)
    out = pl.kernel(
        _body,
        out_type=jax.ShapeDtypeStruct((_C * _NUM_SAMPLES, _ROW), jnp.float32),
        mesh=plsc.VectorSubcoreMesh(
            core_axis_name="c", subcore_axis_name="s",
            num_cores=2, num_subcores=16,
        ),
        scratch_types=[
            pltpu.VMEM((_NBUF * _CH,), jnp.float32),
            pltpu.SemaphoreType.DMA((_NBUF,)),
            pltpu.SemaphoreType.DMA((_NBUF,)),
        ],
    )(xf)
    return out.reshape(_C, _NUM_SAMPLES, 256, 256)

# --- scband reference (transcript-rebuilt; emitter-appended) ---
"""Pipeline reference for scband-uniform-temporal-subsample-8924942041761 (READ-ONLY COPY).

The authoritative reference and input builder live on the scoring server;
editing this copy changes nothing except your own understanding.
"""

import jax, jax.numpy as jnp
import numpy as np

NUM_SAMPLES = 32

def setup_inputs(seed: int = 0) -> dict:
    key = jax.random.key(seed)
    x = jax.random.normal(key, (3, 128, 256, 256), dtype=jnp.float32)
    return {"x": x}

def reference(x: jnp.ndarray) -> jnp.ndarray:
    # Faithful port of pytorchvideo.transforms.functional.uniform_temporal_subsample
    # temporal_dim = 1 for (C, T, H, W) input (original default temporal_dim=-3)
    t = x.shape[1]
    indices = jnp.linspace(0.0, float(t - 1), NUM_SAMPLES)
    indices = jnp.clip(indices, 0.0, float(t - 1)).astype(jnp.int64)  # .long() truncates
    return jnp.take(x, indices, axis=1)

if __name__ == "__main__":
    import jax
    _d = setup_inputs()
    print(jax.jit(kernel)(*tuple(_d.values())))

</pallas_src>

<mosaic_0001>
#map = affine_map<(d0, d1) -> (0, 0)>
module attributes {stable_mosaic.version = 14 : i64} {
  func.func @_body(%arg0: i32, %arg1: i32, %arg2: memref<384x65536xf32, #tpu.memory_space<hbm>>, %arg3: memref<96x65536xf32, #tpu.memory_space<hbm>>, %arg4: memref<114688xf32, #tpu.memory_space<vmem>>, %arg5: memref<7x!tpu.dma_semaphore, #tpu.memory_space<semaphore_mem>>, %arg6: memref<7x!tpu.dma_semaphore, #tpu.memory_space<semaphore_mem>>) attributes {dimension_semantics = [#tpu.dimension_semantics<core_parallel>, #tpu.dimension_semantics<subcore_parallel>], iteration_bounds = array<i64: 2, 16>, scalar_prefetch = 0 : i64, scratch_operands = 3 : i64, tpu.core_type = #tpu.core_type<sc_vector_subcore>, window_params = [{transform_indices = #map}, {transform_indices = #map}]} {
    %mul3A = arith.constant 2 : i32
    %mul3A_0 = arith.muli %arg1, %mul3A : i32
    %add3A = arith.addi %mul3A_0, %arg0 : i32
    %mul3A_1 = arith.constant 3 : i32
    %mul3A_2 = arith.muli %add3A, %mul3A_1 : i32
    %add3A_3 = arith.constant 0 : i32
    %add3A_4 = arith.addi %mul3A_2, %add3A_3 : i32
    %jit3A = arith.constant 32 : i32
    %div3A = arith.divsi %add3A_4, %jit3A : i32
    %sign3A = arith.constant 0 : i32
    %sign3A_5 = arith.cmpi sgt, %add3A_4, %sign3A : i32
    %sign3A_6 = arith.extui %sign3A_5 : i1 to i32
    %sign3A_7 = arith.constant 0 : i32
    %sign3A_8 = arith.cmpi slt, %add3A_4, %sign3A_7 : i32
    %sign3A_9 = arith.extui %sign3A_8 : i1 to i32
    %sign3A_10 = arith.subi %sign3A_6, %sign3A_9 : i32
    %sign3A_11 = arith.constant 0 : i32
    %sign3A_12 = arith.cmpi sgt, %jit3A, %sign3A_11 : i32
    %sign3A_13 = arith.extui %sign3A_12 : i1 to i32
    %sign3A_14 = arith.constant 0 : i32
    %sign3A_15 = arith.cmpi slt, %jit3A, %sign3A_14 : i32
    %sign3A_16 = arith.extui %sign3A_15 : i1 to i32
    %sign3A_17 = arith.subi %sign3A_13, %sign3A_16 : i32
    %ne3A = arith.cmpi ne, %sign3A_10, %sign3A_17 : i32
    %rem3A = arith.remsi %add3A_4, %jit3A : i32
    %ne3A_18 = arith.constant 0 : i32
    %ne3A_19 = arith.cmpi ne, %rem3A, %ne3A_18 : i32
    %and3A = arith.andi %ne3A, %ne3A_19 : i1
    %sub3A = arith.constant 1 : i32
    %sub3A_20 = arith.subi %div3A, %sub3A : i32
    %select_n3A = arith.select %and3A, %sub3A_20, %div3A : i32
    %jit3A_21 = arith.constant 32 : i32
    %eq3A = arith.constant 0 : i32
    %eq3A_22 = arith.cmpi eq, %jit3A_21, %eq3A : i32
    %jit3A_23 = arith.constant 1 : i32
    %select_n3A_24 = arith.select %eq3A_22, %jit3A_23, %jit3A_21 : i32
    %rem3A_25 = arith.remsi %add3A_4, %select_n3A_24 : i32
    %ne3A_26 = arith.constant 0 : i32
    %ne3A_27 = arith.cmpi ne, %rem3A_25, %ne3A_26 : i32
    %lt3A = arith.constant 0 : i32
    %lt3A_28 = arith.cmpi slt, %rem3A_25, %lt3A : i32
    %lt3A_29 = arith.constant 0 : i32
    %lt3A_30 = arith.cmpi slt, %select_n3A_24, %lt3A_29 : i32
    %ne3A_31 = arith.xori %lt3A_28, %lt3A_30 : i1
    %and3A_32 = arith.andi %ne3A_31, %ne3A_27 : i1
    %add3A_33 = arith.addi %rem3A_25, %select_n3A_24 : i32
    %select_n3A_34 = arith.select %and3A_32, %add3A_33, %rem3A_25 : i32
    %mul3A_35 = arith.constant 127 : i32
    %mul3A_36 = arith.muli %select_n3A_34, %mul3A_35 : i32
    %jit3A_37 = arith.constant 31 : i32
    %div3A_38 = arith.divsi %mul3A_36, %jit3A_37 : i32
    %sign3A_39 = arith.constant 0 : i32
    %sign3A_40 = arith.cmpi sgt, %mul3A_36, %sign3A_39 : i32
    %sign3A_41 = arith.extui %sign3A_40 : i1 to i32
    %sign3A_42 = arith.constant 0 : i32
    %sign3A_43 = arith.cmpi slt, %mul3A_36, %sign3A_42 : i32
    %sign3A_44 = arith.extui %sign3A_43 : i1 to i32
    %sign3A_45 = arith.subi %sign3A_41, %sign3A_44 : i32
    %sign3A_46 = arith.constant 0 : i32
    %sign3A_47 = arith.cmpi sgt, %jit3A_37, %sign3A_46 : i32
    %sign3A_48 = arith.extui %sign3A_47 : i1 to i32
    %sign3A_49 = arith.constant 0 : i32
    %sign3A_50 = arith.cmpi slt, %jit3A_37, %sign3A_49 : i32
    %sign3A_51 = arith.extui %sign3A_50 : i1 to i32
    %sign3A_52 = arith.subi %sign3A_48, %sign3A_51 : i32
    %ne3A_53 = arith.cmpi ne, %sign3A_45, %sign3A_52 : i32
    %rem3A_54 = arith.remsi %mul3A_36, %jit3A_37 : i32
    %ne3A_55 = arith.constant 0 : i32
    %ne3A_56 = arith.cmpi ne, %rem3A_54, %ne3A_55 : i32
    %and3A_57 = arith.andi %ne3A_53, %ne3A_56 : i1
    %sub3A_58 = arith.constant 1 : i32
    %sub3A_59 = arith.subi %div3A_38, %sub3A_58 : i32
    %select_n3A_60 = arith.select %and3A_57, %sub3A_59, %div3A_38 : i32
    %mul3A_61 = arith.constant 128 : i32
    %mul3A_62 = arith.muli %select_n3A, %mul3A_61 : i32
    %add3A_63 = arith.addi %mul3A_62, %select_n3A_60 : i32
    %mul3A_64 = arith.constant 3 : i32
    %mul3A_65 = arith.muli %add3A, %mul3A_64 : i32
    %add3A_66 = arith.constant 1 : i32
    %add3A_67 = arith.addi %mul3A_65, %add3A_66 : i32
    %jit3A_68 = arith.constant 32 : i32
    %div3A_69 = arith.divsi %add3A_67, %jit3A_68 : i32
    %sign3A_70 = arith.constant 0 : i32
    %sign3A_71 = arith.cmpi sgt, %add3A_67, %sign3A_70 : i32
    %sign3A_72 = arith.extui %sign3A_71 : i1 to i32
    %sign3A_73 = arith.constant 0 : i32
    %sign3A_74 = arith.cmpi slt, %add3A_67, %sign3A_73 : i32
    %sign3A_75 = arith.extui %sign3A_74 : i1 to i32
    %sign3A_76 = arith.subi %sign3A_72, %sign3A_75 : i32
    %sign3A_77 = arith.constant 0 : i32
    %sign3A_78 = arith.cmpi sgt, %jit3A_68, %sign3A_77 : i32
    %sign3A_79 = arith.extui %sign3A_78 : i1 to i32
    %sign3A_80 = arith.constant 0 : i32
    %sign3A_81 = arith.cmpi slt, %jit3A_68, %sign3A_80 : i32
    %sign3A_82 = arith.extui %sign3A_81 : i1 to i32
    %sign3A_83 = arith.subi %sign3A_79, %sign3A_82 : i32
    %ne3A_84 = arith.cmpi ne, %sign3A_76, %sign3A_83 : i32
    %rem3A_85 = arith.remsi %add3A_67, %jit3A_68 : i32
    %ne3A_86 = arith.constant 0 : i32
    %ne3A_87 = arith.cmpi ne, %rem3A_85, %ne3A_86 : i32
    %and3A_88 = arith.andi %ne3A_84, %ne3A_87 : i1
    %sub3A_89 = arith.constant 1 : i32
    %sub3A_90 = arith.subi %div3A_69, %sub3A_89 : i32
    %select_n3A_91 = arith.select %and3A_88, %sub3A_90, %div3A_69 : i32
    %jit3A_92 = arith.constant 32 : i32
    %eq3A_93 = arith.constant 0 : i32
    %eq3A_94 = arith.cmpi eq, %jit3A_92, %eq3A_93 : i32
    %jit3A_95 = arith.constant 1 : i32
    %select_n3A_96 = arith.select %eq3A_94, %jit3A_95, %jit3A_92 : i32
    %rem3A_97 = arith.remsi %add3A_67, %select_n3A_96 : i32
    %ne3A_98 = arith.constant 0 : i32
    %ne3A_99 = arith.cmpi ne, %rem3A_97, %ne3A_98 : i32
    %lt3A_100 = arith.constant 0 : i32
    %lt3A_101 = arith.cmpi slt, %rem3A_97, %lt3A_100 : i32
    %lt3A_102 = arith.constant 0 : i32
    %lt3A_103 = arith.cmpi slt, %select_n3A_96, %lt3A_102 : i32
    %ne3A_104 = arith.xori %lt3A_101, %lt3A_103 : i1
    %and3A_105 = arith.andi %ne3A_104, %ne3A_99 : i1
    %add3A_106 = arith.addi %rem3A_97, %select_n3A_96 : i32
    %select_n3A_107 = arith.select %and3A_105, %add3A_106, %rem3A_97 : i32
    %mul3A_108 = arith.constant 127 : i32
    %mul3A_109 = arith.muli %select_n3A_107, %mul3A_108 : i32
    %jit3A_110 = arith.constant 31 : i32
    %div3A_111 = arith.divsi %mul3A_109, %jit3A_110 : i32
    %sign3A_112 = arith.constant 0 : i32
    %sign3A_113 = arith.cmpi sgt, %mul3A_109, %sign3A_112 : i32
    %sign3A_114 = arith.extui %sign3A_113 : i1 to i32
    %sign3A_115 = arith.constant 0 : i32
    %sign3A_116 = arith.cmpi slt, %mul3A_109, %sign3A_115 : i32
    %sign3A_117 = arith.extui %sign3A_116 : i1 to i32
    %sign3A_118 = arith.subi %sign3A_114, %sign3A_117 : i32
    %sign3A_119 = arith.constant 0 : i32
    %sign3A_120 = arith.cmpi sgt, %jit3A_110, %sign3A_119 : i32
    %sign3A_121 = arith.extui %sign3A_120 : i1 to i32
    %sign3A_122 = arith.constant 0 : i32
    %sign3A_123 = arith.cmpi slt, %jit3A_110, %sign3A_122 : i32
    %sign3A_124 = arith.extui %sign3A_123 : i1 to i32
    %sign3A_125 = arith.subi %sign3A_121, %sign3A_124 : i32
    %ne3A_126 = arith.cmpi ne, %sign3A_118, %sign3A_125 : i32
    %rem3A_127 = arith.remsi %mul3A_109, %jit3A_110 : i32
    %ne3A_128 = arith.constant 0 : i32
    %ne3A_129 = arith.cmpi ne, %rem3A_127, %ne3A_128 : i32
    %and3A_130 = arith.andi %ne3A_126, %ne3A_129 : i1
    %sub3A_131 = arith.constant 1 : i32
    %sub3A_132 = arith.subi %div3A_111, %sub3A_131 : i32
    %select_n3A_133 = arith.select %and3A_130, %sub3A_132, %div3A_111 : i32
    %mul3A_134 = arith.constant 128 : i32
    %mul3A_135 = arith.muli %select_n3A_91, %mul3A_134 : i32
    %add3A_136 = arith.addi %mul3A_135, %select_n3A_133 : i32
    %mul3A_137 = arith.constant 3 : i32
    %mul3A_138 = arith.muli %add3A, %mul3A_137 : i32
    %add3A_139 = arith.constant 2 : i32
    %add3A_140 = arith.addi %mul3A_138, %add3A_139 : i32
    %jit3A_141 = arith.constant 32 : i32
    %div3A_142 = arith.divsi %add3A_140, %jit3A_141 : i32
    %sign3A_143 = arith.constant 0 : i32
    %sign3A_144 = arith.cmpi sgt, %add3A_140, %sign3A_143 : i32
    %sign3A_145 = arith.extui %sign3A_144 : i1 to i32
    %sign3A_146 = arith.constant 0 : i32
    %sign3A_147 = arith.cmpi slt, %add3A_140, %sign3A_146 : i32
    %sign3A_148 = arith.extui %sign3A_147 : i1 to i32
    %sign3A_149 = arith.subi %sign3A_145, %sign3A_148 : i32
    %sign3A_150 = arith.constant 0 : i32
    %sign3A_151 = arith.cmpi sgt, %jit3A_141, %sign3A_150 : i32
    %sign3A_152 = arith.extui %sign3A_151 : i1 to i32
    %sign3A_153 = arith.constant 0 : i32
    %sign3A_154 = arith.cmpi slt, %jit3A_141, %sign3A_153 : i32
    %sign3A_155 = arith.extui %sign3A_154 : i1 to i32
    %sign3A_156 = arith.subi %sign3A_152, %sign3A_155 : i32
    %ne3A_157 = arith.cmpi ne, %sign3A_149, %sign3A_156 : i32
    %rem3A_158 = arith.remsi %add3A_140, %jit3A_141 : i32
    %ne3A_159 = arith.constant 0 : i32
    %ne3A_160 = arith.cmpi ne, %rem3A_158, %ne3A_159 : i32
    %and3A_161 = arith.andi %ne3A_157, %ne3A_160 : i1
    %sub3A_162 = arith.constant 1 : i32
    %sub3A_163 = arith.subi %div3A_142, %sub3A_162 : i32
    %select_n3A_164 = arith.select %and3A_161, %sub3A_163, %div3A_142 : i32
    %jit3A_165 = arith.constant 32 : i32
    %eq3A_166 = arith.constant 0 : i32
    %eq3A_167 = arith.cmpi eq, %jit3A_165, %eq3A_166 : i32
    %jit3A_168 = arith.constant 1 : i32
    %select_n3A_169 = arith.select %eq3A_167, %jit3A_168, %jit3A_165 : i32
    %rem3A_170 = arith.remsi %add3A_140, %select_n3A_169 : i32
    %ne3A_171 = arith.constant 0 : i32
    %ne3A_172 = arith.cmpi ne, %rem3A_170, %ne3A_171 : i32
    %lt3A_173 = arith.constant 0 : i32
    %lt3A_174 = arith.cmpi slt, %rem3A_170, %lt3A_173 : i32
    %lt3A_175 = arith.constant 0 : i32
    %lt3A_176 = arith.cmpi slt, %select_n3A_169, %lt3A_175 : i32
    %ne3A_177 = arith.xori %lt3A_174, %lt3A_176 : i1
    %and3A_178 = arith.andi %ne3A_177, %ne3A_172 : i1
    %add3A_179 = arith.addi %rem3A_170, %select_n3A_169 : i32
    %select_n3A_180 = arith.select %and3A_178, %add3A_179, %rem3A_170 : i32
    %mul3A_181 = arith.constant 127 : i32
    %mul3A_182 = arith.muli %select_n3A_180, %mul3A_181 : i32
    %jit3A_183 = arith.constant 31 : i32
    %div3A_184 = arith.divsi %mul3A_182, %jit3A_183 : i32
    %sign3A_185 = arith.constant 0 : i32
    %sign3A_186 = arith.cmpi sgt, %mul3A_182, %sign3A_185 : i32
    %sign3A_187 = arith.extui %sign3A_186 : i1 to i32
    %sign3A_188 = arith.constant 0 : i32
    %sign3A_189 = arith.cmpi slt, %mul3A_182, %sign3A_188 : i32
    %sign3A_190 = arith.extui %sign3A_189 : i1 to i32
    %sign3A_191 = arith.subi %sign3A_187, %sign3A_190 : i32
    %sign3A_192 = arith.constant 0 : i32
    %sign3A_193 = arith.cmpi sgt, %jit3A_183, %sign3A_192 : i32
    %sign3A_194 = arith.extui %sign3A_193 : i1 to i32
    %sign3A_195 = arith.constant 0 : i32
    %sign3A_196 = arith.cmpi slt, %jit3A_183, %sign3A_195 : i32
    %sign3A_197 = arith.extui %sign3A_196 : i1 to i32
    %sign3A_198 = arith.subi %sign3A_194, %sign3A_197 : i32
    %ne3A_199 = arith.cmpi ne, %sign3A_191, %sign3A_198 : i32
    %rem3A_200 = arith.remsi %mul3A_182, %jit3A_183 : i32
    %ne3A_201 = arith.constant 0 : i32
    %ne3A_202 = arith.cmpi ne, %rem3A_200, %ne3A_201 : i32
    %and3A_203 = arith.andi %ne3A_199, %ne3A_202 : i1
    %sub3A_204 = arith.constant 1 : i32
    %sub3A_205 = arith.subi %div3A_184, %sub3A_204 : i32
    %select_n3A_206 = arith.select %and3A_203, %sub3A_205, %div3A_184 : i32
    %mul3A_207 = arith.constant 128 : i32
    %mul3A_208 = arith.muli %select_n3A_164, %mul3A_207 : i32
    %add3A_209 = arith.addi %mul3A_208, %select_n3A_206 : i32
    %dma_start3A = arith.constant 0 : i32
    %dma_start3A_210 = arith.constant 0 : i32
    %dma_start3A_211 = tpu.memref_slice %arg4[%dma_start3A_210] : memref<114688xf32, #tpu.memory_space<vmem>> -> memref<16384xf32, #tpu.memory_space<vmem>>
    %dma_start3A_212 = arith.constant 0 : i32
    %dma_start3A_213 = tpu.memref_slice %arg2[%add3A_63, %dma_start3A_212] : memref<384x65536xf32, #tpu.memory_space<hbm>> -> memref<1x16384xf32, #tpu.memory_space<hbm>>
    %dma_start3A_214 = tpu.memref_squeeze %dma_start3A_213 : memref<1x16384xf32, #tpu.memory_space<hbm>> -> memref<16384xf32, #tpu.memory_space<hbm>>
    %dma_start3A_215 = tpu.memref_slice %arg5[%dma_start3A] : memref<7x!tpu.dma_semaphore, #tpu.memory_space<semaphore_mem>> -> memref<1x!tpu.dma_semaphore, #tpu.memory_space<semaphore_mem>>
    %dma_start3A_216 = tpu.memref_squeeze %dma_start3A_215 : memref<1x!tpu.dma_semaphore, #tpu.memory_space<semaphore_mem>> -> memref<!tpu.dma_semaphore, #tpu.memory_space<semaphore_mem>>
    %dma_start3A_217 = arith.constant 0 : i32
    %dma_start3A_218 = tpu.memref_slice %arg4[%dma_start3A_217] : memref<114688xf32, #tpu.memory_space<vmem>> -> memref<16384xf32, #tpu.memory_space<vmem>>
    %dma_start3A_219 = arith.constant 0 : i32
    %dma_start3A_220 = tpu.memref_slice %arg2[%add3A_63, %dma_start3A_219] : memref<384x65536xf32, #tpu.memory_space<hbm>> -> memref<1x16384xf32, #tpu.memory_space<hbm>>
    %dma_start3A_221 = tpu.memref_squeeze %dma_start3A_220 : memref<1x16384xf32, #tpu.memory_space<hbm>> -> memref<16384xf32, #tpu.memory_space<hbm>>
    tpu.enqueue_dma source(%dma_start3A_221 : memref<16384xf32, #tpu.memory_space<hbm>>) target(%dma_start3A_218 : memref<16384xf32, #tpu.memory_space<vmem>>) target_semaphore(%dma_start3A_216 : memref<!tpu.dma_semaphore, #tpu.memory_space<semaphore_mem>>)
    %dma_start3A_222 = arith.constant 1 : i32
    %dma_start3A_223 = arith.constant 16384 : i32
    %dma_start3A_224 = tpu.memref_slice %arg4[%dma_start3A_223] : memref<114688xf32, #tpu.memory_space<vmem>> -> memref<16384xf32, #tpu.memory_space<vmem>>
    %dma_start3A_225 = arith.constant 16384 : i32
    %dma_start3A_226 = tpu.memref_slice %arg2[%add3A_63, %dma_start3A_225] : memref<384x65536xf32, #tpu.memory_space<hbm>> -> memref<1x16384xf32, #tpu.memory_space<hbm>>
    %dma_start3A_227 = tpu.memref_squeeze %dma_start3A_226 : memref<1x16384xf32, #tpu.memory_space<hbm>> -> memref<16384xf32, #tpu.memory_space<hbm>>
    %dma_start3A_228 = tpu.memref_slice %arg5[%dma_start3A_222] : memref<7x!tpu.dma_semaphore, #tpu.memory_space<semaphore_mem>> -> memref<1x!tpu.dma_semaphore, #tpu.memory_space<semaphore_mem>>
    %dma_start3A_229 = tpu.memref_squeeze %dma_start3A_228 : memref<1x!tpu.dma_semaphore, #tpu.memory_space<semaphore_mem>> -> memref<!tpu.dma_semaphore, #tpu.memory_space<semaphore_mem>>
    %dma_start3A_230 = arith.constant 16384 : i32
    %dma_start3A_231 = tpu.memref_slice %arg4[%dma_start3A_230] : memref<114688xf32, #tpu.memory_space<vmem>> -> memref<16384xf32, #tpu.memory_space<vmem>>
    %dma_start3A_232 = arith.constant 16384 : i32
    %dma_start3A_233 = tpu.memref_slice %arg2[%add3A_63, %dma_start3A_232] : memref<384x65536xf32, #tpu.memory_space<hbm>> -> memref<1x16384xf32, #tpu.memory_space<hbm>>
    %dma_start3A_234 = tpu.memref_squeeze %dma_start3A_233 : memref<1x16384xf32, #tpu.memory_space<hbm>> -> memref<16384xf32, #tpu.memory_space<hbm>>
    tpu.enqueue_dma source(%dma_start3A_234 : memref<16384xf32, #tpu.memory_space<hbm>>) target(%dma_start3A_231 : memref<16384xf32, #tpu.memory_space<vmem>>) target_semaphore(%dma_start3A_229 : memref<!tpu.dma_semaphore, #tpu.memory_space<semaphore_mem>>)
    %dma_start3A_235 = arith.constant 2 : i32
    %dma_start3A_236 = arith.constant 32768 : i32
    %dma_start3A_237 = tpu.memref_slice %arg4[%dma_start3A_236] : memref<114688xf32, #tpu.memory_space<vmem>> -> memref<16384xf32, #tpu.memory_space<vmem>>
    %dma_start3A_238 = arith.constant 32768 : i32
    %dma_start3A_239 = tpu.memref_slice %arg2[%add3A_63, %dma_start3A_238] : memref<384x65536xf32, #tpu.memory_space<hbm>> -> memref<1x16384xf32, #tpu.memory_space<hbm>>
    %dma_start3A_240 = tpu.memref_squeeze %dma_start3A_239 : memref<1x16384xf32, #tpu.memory_space<hbm>> -> memref<16384xf32, #tpu.memory_space<hbm>>
    %dma_start3A_241 = tpu.memref_slice %arg5[%dma_start3A_235] : memref<7x!tpu.dma_semaphore, #tpu.memory_space<semaphore_mem>> -> memref<1x!tpu.dma_semaphore, #tpu.memory_space<semaphore_mem>>
    %dma_start3A_242 = tpu.memref_squeeze %dma_start3A_241 : memref<1x!tpu.dma_semaphore, #tpu.memory_space<semaphore_mem>> -> memref<!tpu.dma_semaphore, #tpu.memory_space<semaphore_mem>>
    %dma_start3A_243 = arith.constant 32768 : i32
    %dma_start3A_244 = tpu.memref_slice %arg4[%dma_start3A_243] : memref<114688xf32, #tpu.memory_space<vmem>> -> memref<16384xf32, #tpu.memory_space<vmem>>
    %dma_start3A_245 = arith.constant 32768 : i32
    %dma_start3A_246 = tpu.memref_slice %arg2[%add3A_63, %dma_start3A_245] : memref<384x65536xf32, #tpu.memory_space<hbm>> -> memref<1x16384xf32, #tpu.memory_space<hbm>>
    %dma_start3A_247 = tpu.memref_squeeze %dma_start3A_246 : memref<1x16384xf32, #tpu.memory_space<hbm>> -> memref<16384xf32, #tpu.memory_space<hbm>>
    tpu.enqueue_dma source(%dma_start3A_247 : memref<16384xf32, #tpu.memory_space<hbm>>) target(%dma_start3A_244 : memref<16384xf32, #tpu.memory_space<vmem>>) target_semaphore(%dma_start3A_242 : memref<!tpu.dma_semaphore, #tpu.memory_space<semaphore_mem>>)
    %dma_start3A_248 = arith.constant 3 : i32
    %dma_start3A_249 = arith.constant 49152 : i32
    %dma_start3A_250 = tpu.memref_slice %arg4[%dma_start3A_249] : memref<114688xf32, #tpu.memory_space<vmem>> -> memref<16384xf32, #tpu.memory_space<vmem>>
    %dma_start3A_251 = arith.constant 49152 : i32
    %dma_start3A_252 = tpu.memref_slice %arg2[%add3A_63, %dma_start3A_251] : memref<384x65536xf32, #tpu.memory_space<hbm>> -> memref<1x16384xf32, #tpu.memory_space<hbm>>
    %dma_start3A_253 = tpu.memref_squeeze %dma_start3A_252 : memref<1x16384xf32, #tpu.memory_space<hbm>> -> memref<16384xf32, #tpu.memory_space<hbm>>
    %dma_start3A_254 = tpu.memref_slice %arg5[%dma_start3A_248] : memref<7x!tpu.dma_semaphore, #tpu.memory_space<semaphore_mem>> -> memref<1x!tpu.dma_semaphore, #tpu.memory_space<semaphore_mem>>
    %dma_start3A_255 = tpu.memref_squeeze %dma_start3A_254 : memref<1x!tpu.dma_semaphore, #tpu.memory_space<semaphore_mem>> -> memref<!tpu.dma_semaphore, #tpu.memory_space<semaphore_mem>>
    %dma_start3A_256 = arith.constant 49152 : i32
    %dma_start3A_257 = tpu.memref_slice %arg4[%dma_start3A_256] : memref<114688xf32, #tpu.memory_space<vmem>> -> memref<16384xf32, #tpu.memory_space<vmem>>
    %dma_start3A_258 = arith.constant 49152 : i32
    %dma_start3A_259 = tpu.memref_slice %arg2[%add3A_63, %dma_start3A_258] : memref<384x65536xf32, #tpu.memory_space<hbm>> -> memref<1x16384xf32, #tpu.memory_space<hbm>>
    %dma_start3A_260 = tpu.memref_squeeze %dma_start3A_259 : memref<1x16384xf32, #tpu.memory_space<hbm>> -> memref<16384xf32, #tpu.memory_space<hbm>>
    tpu.enqueue_dma source(%dma_start3A_260 : memref<16384xf32, #tpu.memory_space<hbm>>) target(%dma_start3A_257 : memref<16384xf32, #tpu.memory_space<vmem>>) target_semaphore(%dma_start3A_255 : memref<!tpu.dma_semaphore, #tpu.memory_space<semaphore_mem>>)
    %dma_start3A_261 = arith.constant 4 : i32
    %dma_start3A_262 = arith.constant 65536 : i32
    %dma_start3A_263 = tpu.memref_slice %arg4[%dma_start3A_262] : memref<114688xf32, #tpu.memory_space<vmem>> -> memref<16384xf32, #tpu.memory_space<vmem>>
    %dma_start3A_264 = arith.constant 0 : i32
    %dma_start3A_265 = tpu.memref_slice %arg2[%add3A_136, %dma_start3A_264] : memref<384x65536xf32, #tpu.memory_space<hbm>> -> memref<1x16384xf32, #tpu.memory_space<hbm>>
    %dma_start3A_266 = tpu.memref_squeeze %dma_start3A_265 : memref<1x16384xf32, #tpu.memory_space<hbm>> -> memref<16384xf32, #tpu.memory_space<hbm>>
    %dma_start3A_267 = tpu.memref_slice %arg5[%dma_start3A_261] : memref<7x!tpu.dma_semaphore, #tpu.memory_space<semaphore_mem>> -> memref<1x!tpu.dma_semaphore, #tpu.memory_space<semaphore_mem>>
    %dma_start3A_268 = tpu.memref_squeeze %dma_start3A_267 : memref<1x!tpu.dma_semaphore, #tpu.memory_space<semaphore_mem>> -> memref<!tpu.dma_semaphore, #tpu.memory_space<semaphore_mem>>
    %dma_start3A_269 = arith.constant 65536 : i32
    %dma_start3A_270 = tpu.memref_slice %arg4[%dma_start3A_269] : memref<114688xf32, #tpu.memory_space<vmem>> -> memref<16384xf32, #tpu.memory_space<vmem>>
    %dma_start3A_271 = arith.constant 0 : i32
    %dma_start3A_272 = tpu.memref_slice %arg2[%add3A_136, %dma_start3A_271] : memref<384x65536xf32, #tpu.memory_space<hbm>> -> memref<1x16384xf32, #tpu.memory_space<hbm>>
    %dma_start3A_273 = tpu.memref_squeeze %dma_start3A_272 : memref<1x16384xf32, #tpu.memory_space<hbm>> -> memref<16384xf32, #tpu.memory_space<hbm>>
    tpu.enqueue_dma source(%dma_start3A_273 : memref<16384xf32, #tpu.memory_space<hbm>>) target(%dma_start3A_270 : memref<16384xf32, #tpu.memory_space<vmem>>) target_semaphore(%dma_start3A_268 : memref<!tpu.dma_semaphore, #tpu.memory_space<semaphore_mem>>)
    %dma_start3A_274 = arith.constant 5 : i32
    %dma_start3A_275 = arith.constant 81920 : i32
    %dma_start3A_276 = tpu.memref_slice %arg4[%dma_start3A_275] : memref<114688xf32, #tpu.memory_space<vmem>> -> memref<16384xf32, #tpu.memory_space<vmem>>
    %dma_start3A_277 = arith.constant 16384 : i32
    %dma_start3A_278 = tpu.memref_slice %arg2[%add3A_136, %dma_start3A_277] : memref<384x65536xf32, #tpu.memory_space<hbm>> -> memref<1x16384xf32, #tpu.memory_space<hbm>>
    %dma_start3A_279 = tpu.memref_squeeze %dma_start3A_278 : memref<1x16384xf32, #tpu.memory_space<hbm>> -> memref<16384xf32, #tpu.memory_space<hbm>>
    %dma_start3A_280 = tpu.memref_slice %arg5[%dma_start3A_274] : memref<7x!tpu.dma_semaphore, #tpu.memory_space<semaphore_mem>> -> memref<1x!tpu.dma_semaphore, #tpu.memory_space<semaphore_mem>>
    %dma_start3A_281 = tpu.memref_squeeze %dma_start3A_280 : memref<1x!tpu.dma_semaphore, #tpu.memory_space<semaphore_mem>> -> memref<!tpu.dma_semaphore, #tpu.memory_space<semaphore_mem>>
    %dma_start3A_282 = arith.constant 81920 : i32
    %dma_start3A_283 = tpu.memref_slice %arg4[%dma_start3A_282] : memref<114688xf32, #tpu.memory_space<vmem>> -> memref<16384xf32, #tpu.memory_space<vmem>>
    %dma_start3A_284 = arith.constant 16384 : i32
    %dma_start3A_285 = tpu.memref_slice %arg2[%add3A_136, %dma_start3A_284] : memref<384x65536xf32, #tpu.memory_space<hbm>> -> memref<1x16384xf32, #tpu.memory_space<hbm>>
    %dma_start3A_286 = tpu.memref_squeeze %dma_start3A_285 : memref<1x16384xf32, #tpu.memory_space<hbm>> -> memref<16384xf32, #tpu.memory_space<hbm>>
    tpu.enqueue_dma source(%dma_start3A_286 : memref<16384xf32, #tpu.memory_space<hbm>>) target(%dma_start3A_283 : memref<16384xf32, #tpu.memory_space<vmem>>) target_semaphore(%dma_start3A_281 : memref<!tpu.dma_semaphore, #tpu.memory_space<semaphore_mem>>)
    %dma_start3A_287 = arith.constant 6 : i32
    %dma_start3A_288 = arith.constant 98304 : i32
    %dma_start3A_289 = tpu.memref_slice %arg4[%dma_start3A_288] : memref<114688xf32, #tpu.memory_space<vmem>> -> memref<16384xf32, #tpu.memory_space<vmem>>
    %dma_start3A_290 = arith.constant 32768 : i32
    %dma_start3A_291 = tpu.memref_slice %arg2[%add3A_136, %dma_start3A_290] : memref<384x65536xf32, #tpu.memory_space<hbm>> -> memref<1x16384xf32, #tpu.memory_space<hbm>>
    %dma_start3A_292 = tpu.memref_squeeze %dma_start3A_291 : memref<1x16384xf32, #tpu.memory_space<hbm>> -> memref<16384xf32, #tpu.memory_space<hbm>>
    %dma_start3A_293 = tpu.memref_slice %arg5[%dma_start3A_287] : memref<7x!tpu.dma_semaphore, #tpu.memory_space<semaphore_mem>> -> memref<1x!tpu.dma_semaphore, #tpu.memory_space<semaphore_mem>>
    %dma_start3A_294 = tpu.memref_squeeze %dma_start3A_293 : memref<1x!tpu.dma_semaphore, #tpu.memory_space<semaphore_mem>> -> memref<!tpu.dma_semaphore, #tpu.memory_space<semaphore_mem>>
    %dma_start3A_295 = arith.constant 98304 : i32
    %dma_start3A_296 = tpu.memref_slice %arg4[%dma_start3A_295] : memref<114688xf32, #tpu.memory_space<vmem>> -> memref<16384xf32, #tpu.memory_space<vmem>>
    %dma_start3A_297 = arith.constant 32768 : i32
    %dma_start3A_298 = tpu.memref_slice %arg2[%add3A_136, %dma_start3A_297] : memref<384x65536xf32, #tpu.memory_space<hbm>> -> memref<1x16384xf32, #tpu.memory_space<hbm>>
    %dma_start3A_299 = tpu.memref_squeeze %dma_start3A_298 : memref<1x16384xf32, #tpu.memory_space<hbm>> -> memref<16384xf32, #tpu.memory_space<hbm>>
    tpu.enqueue_dma source(%dma_start3A_299 : memref<16384xf32, #tpu.memory_space<hbm>>) target(%dma_start3A_296 : memref<16384xf32, #tpu.memory_space<vmem>>) target_semaphore(%dma_start3A_294 : memref<!tpu.dma_semaphore, #tpu.memory_space<semaphore_mem>>)
    %dma_wait3A = arith.constant 0 : i32
    %dma_wait3A_300 = arith.constant 0 : i32
    %dma_wait3A_301 = tpu.memref_slice %arg4[%dma_wait3A_300] : memref<114688xf32, #tpu.memory_space<vmem>> -> memref<16384xf32, #tpu.memory_space<vmem>>
    %dma_wait3A_302 = arith.constant 0 : i32
    %dma_wait3A_303 = tpu.memref_slice %arg2[%add3A_63, %dma_wait3A_302] : memref<384x65536xf32, #tpu.memory_space<hbm>> -> memref<1x16384xf32, #tpu.memory_space<hbm>>
    %dma_wait3A_304 = tpu.memref_squeeze %dma_wait3A_303 : memref<1x16384xf32, #tpu.memory_space<hbm>> -> memref<16384xf32, #tpu.memory_space<hbm>>
    %dma_wait3A_305 = tpu.memref_slice %arg5[%dma_wait3A] : memref<7x!tpu.dma_semaphore, #tpu.memory_space<semaphore_mem>> -> memref<1x!tpu.dma_semaphore, #tpu.memory_space<semaphore_mem>>
    %dma_wait3A_306 = tpu.memref_squeeze %dma_wait3A_305 : memref<1x!tpu.dma_semaphore, #tpu.memory_space<semaphore_mem>> -> memref<!tpu.dma_semaphore, #tpu.memory_space<semaphore_mem>>
    %dma_wait3A_307 = arith.constant 0 : i32
    %dma_wait3A_308 = tpu.memref_slice %arg4[%dma_wait3A_307] : memref<114688xf32, #tpu.memory_space<vmem>> -> memref<16384xf32, #tpu.memory_space<vmem>>
    %dma_wait3A_309 = arith.constant 0 : i32
    %dma_wait3A_310 = tpu.memref_slice %arg2[%add3A_63, %dma_wait3A_309] : memref<384x65536xf32, #tpu.memory_space<hbm>> -> memref<1x16384xf32, #tpu.memory_space<hbm>>
    %dma_wait3A_311 = tpu.memref_squeeze %dma_wait3A_310 : memref<1x16384xf32, #tpu.memory_space<hbm>> -> memref<16384xf32, #tpu.memory_space<hbm>>
    tpu.wait_dma2 semaphore(%dma_wait3A_306 : memref<!tpu.dma_semaphore, #tpu.memory_space<semaphore_mem>>) src(%dma_wait3A_311 : memref<16384xf32, #tpu.memory_space<hbm>>) dst(%dma_wait3A_308 : memref<16384xf32, #tpu.memory_space<vmem>>)
    %dma_start3A_312 = arith.constant 0 : i32
    %dma_start3A_313 = arith.constant 0 : i32
    %dma_start3A_314 = tpu.memref_slice %arg4[%dma_start3A_313] : memref<114688xf32, #tpu.memory_space<vmem>> -> memref<16384xf32, #tpu.memory_space<vmem>>
    %dma_start3A_315 = arith.constant 0 : i32
    %dma_start3A_316 = tpu.memref_slice %arg3[%add3A_4, %dma_start3A_315] : memref<96x65536xf32, #tpu.memory_space<hbm>> -> memref<1x16384xf32, #tpu.memory_space<hbm>>
    %dma_start3A_317 = tpu.memref_squeeze %dma_start3A_316 : memref<1x16384xf32, #tpu.memory_space<hbm>> -> memref<16384xf32, #tpu.memory_space<hbm>>
    %dma_start3A_318 = tpu.memref_slice %arg6[%dma_start3A_312] : memref<7x!tpu.dma_semaphore, #tpu.memory_space<semaphore_mem>> -> memref<1x!tpu.dma_semaphore, #tpu.memory_space<semaphore_mem>>
    %dma_start3A_319 = tpu.memref_squeeze %dma_start3A_318 : memref<1x!tpu.dma_semaphore, #tpu.memory_space<semaphore_mem>> -> memref<!tpu.dma_semaphore, #tpu.memory_space<semaphore_mem>>
    %dma_start3A_320 = arith.constant 0 : i32
    %dma_start3A_321 = tpu.memref_slice %arg3[%add3A_4, %dma_start3A_320] : memref<96x65536xf32, #tpu.memory_space<hbm>> -> memref<1x16384xf32, #tpu.memory_space<hbm>>
    %dma_start3A_322 = tpu.memref_squeeze %dma_start3A_321 : memref<1x16384xf32, #tpu.memory_space<hbm>> -> memref<16384xf32, #tpu.memory_space<hbm>>
    %dma_start3A_323 = arith.constant 0 : i32
    %dma_start3A_324 = tpu.memref_slice %arg4[%dma_start3A_323] : memref<114688xf32, #tpu.memory_space<vmem>> -> memref<16384xf32, #tpu.memory_space<vmem>>
    tpu.enqueue_dma source(%dma_start3A_324 : memref<16384xf32, #tpu.memory_space<vmem>>) target(%dma_start3A_322 : memref<16384xf32, #tpu.memory_space<hbm>>) target_semaphore(%dma_start3A_319 : memref<!tpu.dma_semaphore, #tpu.memory_space<semaphore_mem>>)
    %dma_wait3A_325 = arith.constant 0 : i32
    %dma_wait3A_326 = arith.constant 0 : i32
    %dma_wait3A_327 = tpu.memref_slice %arg4[%dma_wait3A_326] : memref<114688xf32, #tpu.memory_space<vmem>> -> memref<16384xf32, #tpu.memory_space<vmem>>
    %dma_wait3A_328 = arith.constant 0 : i32
    %dma_wait3A_329 = tpu.memref_slice %arg3[%add3A_4, %dma_wait3A_328] : memref<96x65536xf32, #tpu.memory_space<hbm>> -> memref<1x16384xf32, #tpu.memory_space<hbm>>
    %dma_wait3A_330 = tpu.memref_squeeze %dma_wait3A_329 : memref<1x16384xf32, #tpu.memory_space<hbm>> -> memref<16384xf32, #tpu.memory_space<hbm>>
    %dma_wait3A_331 = tpu.memref_slice %arg6[%dma_wait3A_325] : memref<7x!tpu.dma_semaphore, #tpu.memory_space<semaphore_mem>> -> memref<1x!tpu.dma_semaphore, #tpu.memory_space<semaphore_mem>>
    %dma_wait3A_332 = tpu.memref_squeeze %dma_wait3A_331 : memref<1x!tpu.dma_semaphore, #tpu.memory_space<semaphore_mem>> -> memref<!tpu.dma_semaphore, #tpu.memory_space<semaphore_mem>>
    %dma_wait3A_333 = arith.constant 0 : i32
    %dma_wait3A_334 = tpu.memref_slice %arg3[%add3A_4, %dma_wait3A_333] : memref<96x65536xf32, #tpu.memory_space<hbm>> -> memref<1x16384xf32, #tpu.memory_space<hbm>>
    %dma_wait3A_335 = tpu.memref_squeeze %dma_wait3A_334 : memref<1x16384xf32, #tpu.memory_space<hbm>> -> memref<16384xf32, #tpu.memory_space<hbm>>
    %dma_wait3A_336 = arith.constant 0 : i32
    %dma_wait3A_337 = tpu.memref_slice %arg4[%dma_wait3A_336] : memref<114688xf32, #tpu.memory_space<vmem>> -> memref<16384xf32, #tpu.memory_space<vmem>>
    tpu.wait_dma2 semaphore(%dma_wait3A_332 : memref<!tpu.dma_semaphore, #tpu.memory_space<semaphore_mem>>) src(%dma_wait3A_337 : memref<16384xf32, #tpu.memory_space<vmem>>) dst(%dma_wait3A_335 : memref<16384xf32, #tpu.memory_space<hbm>>)
    %dma_start3A_338 = arith.constant 0 : i32
    %dma_start3A_339 = arith.constant 0 : i32
    %dma_start3A_340 = tpu.memref_slice %arg4[%dma_start3A_339] : memref<114688xf32, #tpu.memory_space<vmem>> -> memref<16384xf32, #tpu.memory_space<vmem>>
    %dma_start3A_341 = arith.constant 49152 : i32
    %dma_start3A_342 = tpu.memref_slice %arg2[%add3A_136, %dma_start3A_341] : memref<384x65536xf32, #tpu.memory_space<hbm>> -> memref<1x16384xf32, #tpu.memory_space<hbm>>
    %dma_start3A_343 = tpu.memref_squeeze %dma_start3A_342 : memref<1x16384xf32, #tpu.memory_space<hbm>> -> memref<16384xf32, #tpu.memory_space<hbm>>
    %dma_start3A_344 = tpu.memref_slice %arg5[%dma_start3A_338] : memref<7x!tpu.dma_semaphore, #tpu.memory_space<semaphore_mem>> -> memref<1x!tpu.dma_semaphore, #tpu.memory_space<semaphore_mem>>
    %dma_start3A_345 = tpu.memref_squeeze %dma_start3A_344 : memref<1x!tpu.dma_semaphore, #tpu.memory_space<semaphore_mem>> -> memref<!tpu.dma_semaphore, #tpu.memory_space<semaphore_mem>>
    %dma_start3A_346 = arith.constant 0 : i32
    %dma_start3A_347 = tpu.memref_slice %arg4[%dma_start3A_346] : memref<114688xf32, #tpu.memory_space<vmem>> -> memref<16384xf32, #tpu.memory_space<vmem>>
    %dma_start3A_348 = arith.constant 49152 : i32
    %dma_start3A_349 = tpu.memref_slice %arg2[%add3A_136, %dma_start3A_348] : memref<384x65536xf32, #tpu.memory_space<hbm>> -> memref<1x16384xf32, #tpu.memory_space<hbm>>
    %dma_start3A_350 = tpu.memref_squeeze %dma_start3A_349 : memref<1x16384xf32, #tpu.memory_space<hbm>> -> memref<16384xf32, #tpu.memory_space<hbm>>
    tpu.enqueue_dma source(%dma_start3A_350 : memref<16384xf32, #tpu.memory_space<hbm>>) target(%dma_start3A_347 : memref<16384xf32, #tpu.memory_space<vmem>>) target_semaphore(%dma_start3A_345 : memref<!tpu.dma_semaphore, #tpu.memory_space<semaphore_mem>>)
    %dma_wait3A_351 = arith.constant 1 : i32
    %dma_wait3A_352 = arith.constant 16384 : i32
    %dma_wait3A_353 = tpu.memref_slice %arg4[%dma_wait3A_352] : memref<114688xf32, #tpu.memory_space<vmem>> -> memref<16384xf32, #tpu.memory_space<vmem>>
    %dma_wait3A_354 = arith.constant 16384 : i32
    %dma_wait3A_355 = tpu.memref_slice %arg2[%add3A_63, %dma_wait3A_354] : memref<384x65536xf32, #tpu.memory_space<hbm>> -> memref<1x16384xf32, #tpu.memory_space<hbm>>
    %dma_wait3A_356 = tpu.memref_squeeze %dma_wait3A_355 : memref<1x16384xf32, #tpu.memory_space<hbm>> -> memref<16384xf32, #tpu.memory_space<hbm>>
    %dma_wait3A_357 = tpu.memref_slice %arg5[%dma_wait3A_351] : memref<7x!tpu.dma_semaphore, #tpu.memory_space<semaphore_mem>> -> memref<1x!tpu.dma_semaphore, #tpu.memory_space<semaphore_mem>>
    %dma_wait3A_358 = tpu.memref_squeeze %dma_wait3A_357 : memref<1x!tpu.dma_semaphore, #tpu.memory_space<semaphore_mem>> -> memref<!tpu.dma_semaphore, #tpu.memory_space<semaphore_mem>>
    %dma_wait3A_359 = arith.constant 16384 : i32
    %dma_wait3A_360 = tpu.memref_slice %arg4[%dma_wait3A_359] : memref<114688xf32, #tpu.memory_space<vmem>> -> memref<16384xf32, #tpu.memory_space<vmem>>
    %dma_wait3A_361 = arith.constant 16384 : i32
    %dma_wait3A_362 = tpu.memref_slice %arg2[%add3A_63, %dma_wait3A_361] : memref<384x65536xf32, #tpu.memory_space<hbm>> -> memref<1x16384xf32, #tpu.memory_space<hbm>>
    %dma_wait3A_363 = tpu.memref_squeeze %dma_wait3A_362 : memref<1x16384xf32, #tpu.memory_space<hbm>> -> memref<16384xf32, #tpu.memory_space<hbm>>
    tpu.wait_dma2 semaphore(%dma_wait3A_358 : memref<!tpu.dma_semaphore, #tpu.memory_space<semaphore_mem>>) src(%dma_wait3A_363 : memref<16384xf32, #tpu.memory_space<hbm>>) dst(%dma_wait3A_360 : memref<16384xf32, #tpu.memory_space<vmem>>)
    %dma_start3A_364 = arith.constant 1 : i32
    %dma_start3A_365 = arith.constant 16384 : i32
    %dma_start3A_366 = tpu.memref_slice %arg4[%dma_start3A_365] : memref<114688xf32, #tpu.memory_space<vmem>> -> memref<16384xf32, #tpu.memory_space<vmem>>
    %dma_start3A_367 = arith.constant 16384 : i32
    %dma_start3A_368 = tpu.memref_slice %arg3[%add3A_4, %dma_start3A_367] : memref<96x65536xf32, #tpu.memory_space<hbm>> -> memref<1x16384xf32, #tpu.memory_space<hbm>>
    %dma_start3A_369 = tpu.memref_squeeze %dma_start3A_368 : memref<1x16384xf32, #tpu.memory_space<hbm>> -> memref<16384xf32, #tpu.memory_space<hbm>>
    %dma_start3A_370 = tpu.memref_slice %arg6[%dma_start3A_364] : memref<7x!tpu.dma_semaphore, #tpu.memory_space<semaphore_mem>> -> memref<1x!tpu.dma_semaphore, #tpu.memory_space<semaphore_mem>>
    %dma_start3A_371 = tpu.memref_squeeze %dma_start3A_370 : memref<1x!tpu.dma_semaphore, #tpu.memory_space<semaphore_mem>> -> memref<!tpu.dma_semaphore, #tpu.memory_space<semaphore_mem>>
    %dma_start3A_372 = arith.constant 16384 : i32
    %dma_start3A_373 = tpu.memref_slice %arg3[%add3A_4, %dma_start3A_372] : memref<96x65536xf32, #tpu.memory_space<hbm>> -> memref<1x16384xf32, #tpu.memory_space<hbm>>
    %dma_start3A_374 = tpu.memref_squeeze %dma_start3A_373 : memref<1x16384xf32, #tpu.memory_space<hbm>> -> memref<16384xf32, #tpu.memory_space<hbm>>
    %dma_start3A_375 = arith.constant 16384 : i32
    %dma_start3A_376 = tpu.memref_slice %arg4[%dma_start3A_375] : memref<114688xf32, #tpu.memory_space<vmem>> -> memref<16384xf32, #tpu.memory_space<vmem>>
    tpu.enqueue_dma source(%dma_start3A_376 : memref<16384xf32, #tpu.memory_space<vmem>>) target(%dma_start3A_374 : memref<16384xf32, #tpu.memory_space<hbm>>) target_semaphore(%dma_start3A_371 : memref<!tpu.dma_semaphore, #tpu.memory_space<semaphore_mem>>)
    %dma_wait3A_377 = arith.constant 1 : i32
    %dma_wait3A_378 = arith.constant 16384 : i32
    %dma_wait3A_379 = tpu.memref_slice %arg4[%dma_wait3A_378] : memref<114688xf32, #tpu.memory_space<vmem>> -> memref<16384xf32, #tpu.memory_space<vmem>>
    %dma_wait3A_380 = arith.constant 16384 : i32
    %dma_wait3A_381 = tpu.memref_slice %arg3[%add3A_4, %dma_wait3A_380] : memref<96x65536xf32, #tpu.memory_space<hbm>> -> memref<1x16384xf32, #tpu.memory_space<hbm>>
    %dma_wait3A_382 = tpu.memref_squeeze %dma_wait3A_381 : memref<1x16384xf32, #tpu.memory_space<hbm>> -> memref<16384xf32, #tpu.memory_space<hbm>>
    %dma_wait3A_383 = tpu.memref_slice %arg6[%dma_wait3A_377] : memref<7x!tpu.dma_semaphore, #tpu.memory_space<semaphore_mem>> -> memref<1x!tpu.dma_semaphore, #tpu.memory_space<semaphore_mem>>
    %dma_wait3A_384 = tpu.memref_squeeze %dma_wait3A_383 : memref<1x!tpu.dma_semaphore, #tpu.memory_space<semaphore_mem>> -> memref<!tpu.dma_semaphore, #tpu.memory_space<semaphore_mem>>
    %dma_wait3A_385 = arith.constant 16384 : i32
    %dma_wait3A_386 = tpu.memref_slice %arg3[%add3A_4, %dma_wait3A_385] : memref<96x65536xf32, #tpu.memory_space<hbm>> -> memref<1x16384xf32, #tpu.memory_space<hbm>>
    %dma_wait3A_387 = tpu.memref_squeeze %dma_wait3A_386 : memref<1x16384xf32, #tpu.memory_space<hbm>> -> memref<16384xf32, #tpu.memory_space<hbm>>
    %dma_wait3A_388 = arith.constant 16384 : i32
    %dma_wait3A_389 = tpu.memref_slice %arg4[%dma_wait3A_388] : memref<114688xf32, #tpu.memory_space<vmem>> -> memref<16384xf32, #tpu.memory_space<vmem>>
    tpu.wait_dma2 semaphore(%dma_wait3A_384 : memref<!tpu.dma_semaphore, #tpu.memory_space<semaphore_mem>>) src(%dma_wait3A_389 : memref<16384xf32, #tpu.memory_space<vmem>>) dst(%dma_wait3A_387 : memref<16384xf32, #tpu.memory_space<hbm>>)
    %dma_start3A_390 = arith.constant 1 : i32
    %dma_start3A_391 = arith.constant 16384 : i32
    %dma_start3A_392 = tpu.memref_slice %arg4[%dma_start3A_391] : memref<114688xf32, #tpu.memory_space<vmem>> -> memref<16384xf32, #tpu.memory_space<vmem>>
    %dma_start3A_393 = arith.constant 0 : i32
    %dma_start3A_394 = tpu.memref_slice %arg2[%add3A_209, %dma_start3A_393] : memref<384x65536xf32, #tpu.memory_space<hbm>> -> memref<1x16384xf32, #tpu.memory_space<hbm>>
    %dma_start3A_395 = tpu.memref_squeeze %dma_start3A_394 : memref<1x16384xf32, #tpu.memory_space<hbm>> -> memref<16384xf32, #tpu.memory_space<hbm>>
    %dma_start3A_396 = tpu.memref_slice %arg5[%dma_start3A_390] : memref<7x!tpu.dma_semaphore, #tpu.memory_space<semaphore_mem>> -> memref<1x!tpu.dma_semaphore, #tpu.memory_space<semaphore_mem>>
    %dma_start3A_397 = tpu.memref_squeeze %dma_start3A_396 : memref<1x!tpu.dma_semaphore, #tpu.memory_space<semaphore_mem>> -> memref<!tpu.dma_semaphore, #tpu.memory_space<semaphore_mem>>
    %dma_start3A_398 = arith.constant 16384 : i32
    %dma_start3A_399 = tpu.memref_slice %arg4[%dma_start3A_398] : memref<114688xf32, #tpu.memory_space<vmem>> -> memref<16384xf32, #tpu.memory_space<vmem>>
    %dma_start3A_400 = arith.constant 0 : i32
    %dma_start3A_401 = tpu.memref_slice %arg2[%add3A_209, %dma_start3A_400] : memref<384x65536xf32, #tpu.memory_space<hbm>> -> memref<1x16384xf32, #tpu.memory_space<hbm>>
    %dma_start3A_402 = tpu.memref_squeeze %dma_start3A_401 : memref<1x16384xf32, #tpu.memory_space<hbm>> -> memref<16384xf32, #tpu.memory_space<hbm>>
    tpu.enqueue_dma source(%dma_start3A_402 : memref<16384xf32, #tpu.memory_space<hbm>>) target(%dma_start3A_399 : memref<16384xf32, #tpu.memory_space<vmem>>) target_semaphore(%dma_start3A_397 : memref<!tpu.dma_semaphore, #tpu.memory_space<semaphore_mem>>)
    %dma_wait3A_403 = arith.constant 2 : i32
    %dma_wait3A_404 = arith.constant 32768 : i32
    %dma_wait3A_405 = tpu.memref_slice %arg4[%dma_wait3A_404] : memref<114688xf32, #tpu.memory_space<vmem>> -> memref<16384xf32, #tpu.memory_space<vmem>>
    %dma_wait3A_406 = arith.constant 32768 : i32
    %dma_wait3A_407 = tpu.memref_slice %arg2[%add3A_63, %dma_wait3A_406] : memref<384x65536xf32, #tpu.memory_space<hbm>> -> memref<1x16384xf32, #tpu.memory_space<hbm>>
    %dma_wait3A_408 = tpu.memref_squeeze %dma_wait3A_407 : memref<1x16384xf32, #tpu.memory_space<hbm>> -> memref<16384xf32, #tpu.memory_space<hbm>>
    %dma_wait3A_409 = tpu.memref_slice %arg5[%dma_wait3A_403] : memref<7x!tpu.dma_semaphore, #tpu.memory_space<semaphore_mem>> -> memref<1x!tpu.dma_semaphore, #tpu.memory_space<semaphore_mem>>
    %dma_wait3A_410 = tpu.memref_squeeze %dma_wait3A_409 : memref<1x!tpu.dma_semaphore, #tpu.memory_space<semaphore_mem>> -> memref<!tpu.dma_semaphore, #tpu.memory_space<semaphore_mem>>
    %dma_wait3A_411 = arith.constant 32768 : i32
    %dma_wait3A_412 = tpu.memref_slice %arg4[%dma_wait3A_411] : memref<114688xf32, #tpu.memory_space<vmem>> -> memref<16384xf32, #tpu.memory_space<vmem>>
    %dma_wait3A_413 = arith.constant 32768 : i32
    %dma_wait3A_414 = tpu.memref_slice %arg2[%add3A_63, %dma_wait3A_413] : memref<384x65536xf32, #tpu.memory_space<hbm>> -> memref<1x16384xf32, #tpu.memory_space<hbm>>
    %dma_wait3A_415 = tpu.memref_squeeze %dma_wait3A_414 : memref<1x16384xf32, #tpu.memory_space<hbm>> -> memref<16384xf32, #tpu.memory_space<hbm>>
    tpu.wait_dma2 semaphore(%dma_wait3A_410 : memref<!tpu.dma_semaphore, #tpu.memory_space<semaphore_mem>>) src(%dma_wait3A_415 : memref<16384xf32, #tpu.memory_space<hbm>>) dst(%dma_wait3A_412 : memref<16384xf32, #tpu.memory_space<vmem>>)
    %dma_start3A_416 = arith.constant 2 : i32
    %dma_start3A_417 = arith.constant 32768 : i32
    %dma_start3A_418 = tpu.memref_slice %arg4[%dma_start3A_417] : memref<114688xf32, #tpu.memory_space<vmem>> -> memref<16384xf32, #tpu.memory_space<vmem>>
    %dma_start3A_419 = arith.constant 32768 : i32
    %dma_start3A_420 = tpu.memref_slice %arg3[%add3A_4, %dma_start3A_419] : memref<96x65536xf32, #tpu.memory_space<hbm>> -> memref<1x16384xf32, #tpu.memory_space<hbm>>
    %dma_start3A_421 = tpu.memref_squeeze %dma_start3A_420 : memref<1x16384xf32, #tpu.memory_space<hbm>> -> memref<16384xf32, #tpu.memory_space<hbm>>
    %dma_start3A_422 = tpu.memref_slice %arg6[%dma_start3A_416] : memref<7x!tpu.dma_semaphore, #tpu.memory_space<semaphore_mem>> -> memref<1x!tpu.dma_semaphore, #tpu.memory_space<semaphore_mem>>
    %dma_start3A_423 = tpu.memref_squeeze %dma_start3A_422 : memref<1x!tpu.dma_semaphore, #tpu.memory_space<semaphore_mem>> -> memref<!tpu.dma_semaphore, #tpu.memory_space<semaphore_mem>>
    %dma_start3A_424 = arith.constant 32768 : i32
    %dma_start3A_425 = tpu.memref_slice %arg3[%add3A_4, %dma_start3A_424] : memref<96x65536xf32, #tpu.memory_space<hbm>> -> memref<1x16384xf32, #tpu.memory_space<hbm>>
    %dma_start3A_426 = tpu.memref_squeeze %dma_start3A_425 : memref<1x16384xf32, #tpu.memory_space<hbm>> -> memref<16384xf32, #tpu.memory_space<hbm>>
    %dma_start3A_427 = arith.constant 32768 : i32
    %dma_start3A_428 = tpu.memref_slice %arg4[%dma_start3A_427] : memref<114688xf32, #tpu.memory_space<vmem>> -> memref<16384xf32, #tpu.memory_space<vmem>>
    tpu.enqueue_dma source(%dma_start3A_428 : memref<16384xf32, #tpu.memory_space<vmem>>) target(%dma_start3A_426 : memref<16384xf32, #tpu.memory_space<hbm>>) target_semaphore(%dma_start3A_423 : memref<!tpu.dma_semaphore, #tpu.memory_space<semaphore_mem>>)
    %dma_wait3A_429 = arith.constant 2 : i32
    %dma_wait3A_430 = arith.constant 32768 : i32
    %dma_wait3A_431 = tpu.memref_slice %arg4[%dma_wait3A_430] : memref<114688xf32, #tpu.memory_space<vmem>> -> memref<16384xf32, #tpu.memory_space<vmem>>
    %dma_wait3A_432 = arith.constant 32768 : i32
    %dma_wait3A_433 = tpu.memref_slice %arg3[%add3A_4, %dma_wait3A_432] : memref<96x65536xf32, #tpu.memory_space<hbm>> -> memref<1x16384xf32, #tpu.memory_space<hbm>>
    %dma_wait3A_434 = tpu.memref_squeeze %dma_wait3A_433 : memref<1x16384xf32, #tpu.memory_space<hbm>> -> memref<16384xf32, #tpu.memory_space<hbm>>
    %dma_wait3A_435 = tpu.memref_slice %arg6[%dma_wait3A_429] : memref<7x!tpu.dma_semaphore, #tpu.memory_space<semaphore_mem>> -> memref<1x!tpu.dma_semaphore, #tpu.memory_space<semaphore_mem>>
    %dma_wait3A_436 = tpu.memref_squeeze %dma_wait3A_435 : memref<1x!tpu.dma_semaphore, #tpu.memory_space<semaphore_mem>> -> memref<!tpu.dma_semaphore, #tpu.memory_space<semaphore_mem>>
    %dma_wait3A_437 = arith.constant 32768 : i32
    %dma_wait3A_438 = tpu.memref_slice %arg3[%add3A_4, %dma_wait3A_437] : memref<96x65536xf32, #tpu.memory_space<hbm>> -> memref<1x16384xf32, #tpu.memory_space<hbm>>
    %dma_wait3A_439 = tpu.memref_squeeze %dma_wait3A_438 : memref<1x16384xf32, #tpu.memory_space<hbm>> -> memref<16384xf32, #tpu.memory_space<hbm>>
    %dma_wait3A_440 = arith.constant 32768 : i32
    %dma_wait3A_441 = tpu.memref_slice %arg4[%dma_wait3A_440] : memref<114688xf32, #tpu.memory_space<vmem>> -> memref<16384xf32, #tpu.memory_space<vmem>>
    tpu.wait_dma2 semaphore(%dma_wait3A_436 : memref<!tpu.dma_semaphore, #tpu.memory_space<semaphore_mem>>) src(%dma_wait3A_441 : memref<16384xf32, #tpu.memory_space<vmem>>) dst(%dma_wait3A_439 : memref<16384xf32, #tpu.memory_space<hbm>>)
    %dma_start3A_442 = arith.constant 2 : i32
    %dma_start3A_443 = arith.constant 32768 : i32
    %dma_start3A_444 = tpu.memref_slice %arg4[%dma_start3A_443] : memref<114688xf32, #tpu.memory_space<vmem>> -> memref<16384xf32, #tpu.memory_space<vmem>>
    %dma_start3A_445 = arith.constant 16384 : i32
    %dma_start3A_446 = tpu.memref_slice %arg2[%add3A_209, %dma_start3A_445] : memref<384x65536xf32, #tpu.memory_space<hbm>> -> memref<1x16384xf32, #tpu.memory_space<hbm>>
    %dma_start3A_447 = tpu.memref_squeeze %dma_start3A_446 : memref<1x16384xf32, #tpu.memory_space<hbm>> -> memref<16384xf32, #tpu.memory_space<hbm>>
    %dma_start3A_448 = tpu.memref_slice %arg5[%dma_start3A_442] : memref<7x!tpu.dma_semaphore, #tpu.memory_space<semaphore_mem>> -> memref<1x!tpu.dma_semaphore, #tpu.memory_space<semaphore_mem>>
    %dma_start3A_449 = tpu.memref_squeeze %dma_start3A_448 : memref<1x!tpu.dma_semaphore, #tpu.memory_space<semaphore_mem>> -> memref<!tpu.dma_semaphore, #tpu.memory_space<semaphore_mem>>
    %dma_start3A_450 = arith.constant 32768 : i32
    %dma_start3A_451 = tpu.memref_slice %arg4[%dma_start3A_450] : memref<114688xf32, #tpu.memory_space<vmem>> -> memref<16384xf32, #tpu.memory_space<vmem>>
    %dma_start3A_452 = arith.constant 16384 : i32
    %dma_start3A_453 = tpu.memref_slice %arg2[%add3A_209, %dma_start3A_452] : memref<384x65536xf32, #tpu.memory_space<hbm>> -> memref<1x16384xf32, #tpu.memory_space<hbm>>
    %dma_start3A_454 = tpu.memref_squeeze %dma_start3A_453 : memref<1x16384xf32, #tpu.memory_space<hbm>> -> memref<16384xf32, #tpu.memory_space<hbm>>
    tpu.enqueue_dma source(%dma_start3A_454 : memref<16384xf32, #tpu.memory_space<hbm>>) target(%dma_start3A_451 : memref<16384xf32, #tpu.memory_space<vmem>>) target_semaphore(%dma_start3A_449 : memref<!tpu.dma_semaphore, #tpu.memory_space<semaphore_mem>>)
    %dma_wait3A_455 = arith.constant 3 : i32
    %dma_wait3A_456 = arith.constant 49152 : i32
    %dma_wait3A_457 = tpu.memref_slice %arg4[%dma_wait3A_456] : memref<114688xf32, #tpu.memory_space<vmem>> -> memref<16384xf32, #tpu.memory_space<vmem>>
    %dma_wait3A_458 = arith.constant 49152 : i32
    %dma_wait3A_459 = tpu.memref_slice %arg2[%add3A_63, %dma_wait3A_458] : memref<384x65536xf32, #tpu.memory_space<hbm>> -> memref<1x16384xf32, #tpu.memory_space<hbm>>
    %dma_wait3A_460 = tpu.memref_squeeze %dma_wait3A_459 : memref<1x16384xf32, #tpu.memory_space<hbm>> -> memref<16384xf32, #tpu.memory_space<hbm>>
    %dma_wait3A_461 = tpu.memref_slice %arg5[%dma_wait3A_455] : memref<7x!tpu.dma_semaphore, #tpu.memory_space<semaphore_mem>> -> memref<1x!tpu.dma_semaphore, #tpu.memory_space<semaphore_mem>>
    %dma_wait3A_462 = tpu.memref_squeeze %dma_wait3A_461 : memref<1x!tpu.dma_semaphore, #tpu.memory_space<semaphore_mem>> -> memref<!tpu.dma_semaphore, #tpu.memory_space<semaphore_mem>>
    %dma_wait3A_463 = arith.constant 49152 : i32
    %dma_wait3A_464 = tpu.memref_slice %arg4[%dma_wait3A_463] : memref<114688xf32, #tpu.memory_space<vmem>> -> memref<16384xf32, #tpu.memory_space<vmem>>
    %dma_wait3A_465 = arith.constant 49152 : i32
    %dma_wait3A_466 = tpu.memref_slice %arg2[%add3A_63, %dma_wait3A_465] : memref<384x65536xf32, #tpu.memory_space<hbm>> -> memref<1x16384xf32, #tpu.memory_space<hbm>>
    %dma_wait3A_467 = tpu.memref_squeeze %dma_wait3A_466 : memref<1x16384xf32, #tpu.memory_space<hbm>> -> memref<16384xf32, #tpu.memory_space<hbm>>
    tpu.wait_dma2 semaphore(%dma_wait3A_462 : memref<!tpu.dma_semaphore, #tpu.memory_space<semaphore_mem>>) src(%dma_wait3A_467 : memref<16384xf32, #tpu.memory_space<hbm>>) dst(%dma_wait3A_464 : memref<16384xf32, #tpu.memory_space<vmem>>)
    %dma_start3A_468 = arith.constant 3 : i32
    %dma_start3A_469 = arith.constant 49152 : i32
    %dma_start3A_470 = tpu.memref_slice %arg4[%dma_start3A_469] : memref<114688xf32, #tpu.memory_space<vmem>> -> memref<16384xf32, #tpu.memory_space<vmem>>
    %dma_start3A_471 = arith.constant 49152 : i32
    %dma_start3A_472 = tpu.memref_slice %arg3[%add3A_4, %dma_start3A_471] : memref<96x65536xf32, #tpu.memory_space<hbm>> -> memref<1x16384xf32, #tpu.memory_space<hbm>>
    %dma_start3A_473 = tpu.memref_squeeze %dma_start3A_472 : memref<1x16384xf32, #tpu.memory_space<hbm>> -> memref<16384xf32, #tpu.memory_space<hbm>>
    %dma_start3A_474 = tpu.memref_slice %arg6[%dma_start3A_468] : memref<7x!tpu.dma_semaphore, #tpu.memory_space<semaphore_mem>> -> memref<1x!tpu.dma_semaphore, #tpu.memory_space<semaphore_mem>>
    %dma_start3A_475 = tpu.memref_squeeze %dma_start3A_474 : memref<1x!tpu.dma_semaphore, #tpu.memory_space<semaphore_mem>> -> memref<!tpu.dma_semaphore, #tpu.memory_space<semaphore_mem>>
    %dma_start3A_476 = arith.constant 49152 : i32
    %dma_start3A_477 = tpu.memref_slice %arg3[%add3A_4, %dma_start3A_476] : memref<96x65536xf32, #tpu.memory_space<hbm>> -> memref<1x16384xf32, #tpu.memory_space<hbm>>
    %dma_start3A_478 = tpu.memref_squeeze %dma_start3A_477 : memref<1x16384xf32, #tpu.memory_space<hbm>> -> memref<16384xf32, #tpu.memory_space<hbm>>
    %dma_start3A_479 = arith.constant 49152 : i32
    %dma_start3A_480 = tpu.memref_slice %arg4[%dma_start3A_479] : memref<114688xf32, #tpu.memory_space<vmem>> -> memref<16384xf32, #tpu.memory_space<vmem>>
    tpu.enqueue_dma source(%dma_start3A_480 : memref<16384xf32, #tpu.memory_space<vmem>>) target(%dma_start3A_478 : memref<16384xf32, #tpu.memory_space<hbm>>) target_semaphore(%dma_start3A_475 : memref<!tpu.dma_semaphore, #tpu.memory_space<semaphore_mem>>)
    %dma_wait3A_481 = arith.constant 3 : i32
    %dma_wait3A_482 = arith.constant 49152 : i32
    %dma_wait3A_483 = tpu.memref_slice %arg4[%dma_wait3A_482] : memref<114688xf32, #tpu.memory_space<vmem>> -> memref<16384xf32, #tpu.memory_space<vmem>>
    %dma_wait3A_484 = arith.constant 49152 : i32
    %dma_wait3A_485 = tpu.memref_slice %arg3[%add3A_4, %dma_wait3A_484] : memref<96x65536xf32, #tpu.memory_space<hbm>> -> memref<1x16384xf32, #tpu.memory_space<hbm>>
    %dma_wait3A_486 = tpu.memref_squeeze %dma_wait3A_485 : memref<1x16384xf32, #tpu.memory_space<hbm>> -> memref<16384xf32, #tpu.memory_space<hbm>>
    %dma_wait3A_487 = tpu.memref_slice %arg6[%dma_wait3A_481] : memref<7x!tpu.dma_semaphore, #tpu.memory_space<semaphore_mem>> -> memref<1x!tpu.dma_semaphore, #tpu.memory_space<semaphore_mem>>
    %dma_wait3A_488 = tpu.memref_squeeze %dma_wait3A_487 : memref<1x!tpu.dma_semaphore, #tpu.memory_space<semaphore_mem>> -> memref<!tpu.dma_semaphore, #tpu.memory_space<semaphore_mem>>
    %dma_wait3A_489 = arith.constant 49152 : i32
    %dma_wait3A_490 = tpu.memref_slice %arg3[%add3A_4, %dma_wait3A_489] : memref<96x65536xf32, #tpu.memory_space<hbm>> -> memref<1x16384xf32, #tpu.memory_space<hbm>>
    %dma_wait3A_491 = tpu.memref_squeeze %dma_wait3A_490 : memref<1x16384xf32, #tpu.memory_space<hbm>> -> memref<16384xf32, #tpu.memory_space<hbm>>
    %dma_wait3A_492 = arith.constant 49152 : i32
    %dma_wait3A_493 = tpu.memref_slice %arg4[%dma_wait3A_492] : memref<114688xf32, #tpu.memory_space<vmem>> -> memref<16384xf32, #tpu.memory_space<vmem>>
    tpu.wait_dma2 semaphore(%dma_wait3A_488 : memref<!tpu.dma_semaphore, #tpu.memory_space<semaphore_mem>>) src(%dma_wait3A_493 : memref<16384xf32, #tpu.memory_space<vmem>>) dst(%dma_wait3A_491 : memref<16384xf32, #tpu.memory_space<hbm>>)
    %dma_start3A_494 = arith.constant 3 : i32
    %dma_start3A_495 = arith.constant 49152 : i32
    %dma_start3A_496 = tpu.memref_slice %arg4[%dma_start3A_495] : memref<114688xf32, #tpu.memory_space<vmem>> -> memref<16384xf32, #tpu.memory_space<vmem>>
    %dma_start3A_497 = arith.constant 32768 : i32
    %dma_start3A_498 = tpu.memref_slice %arg2[%add3A_209, %dma_start3A_497] : memref<384x65536xf32, #tpu.memory_space<hbm>> -> memref<1x16384xf32, #tpu.memory_space<hbm>>
    %dma_start3A_499 = tpu.memref_squeeze %dma_start3A_498 : memref<1x16384xf32, #tpu.memory_space<hbm>> -> memref<16384xf32, #tpu.memory_space<hbm>>
    %dma_start3A_500 = tpu.memref_slice %arg5[%dma_start3A_494] : memref<7x!tpu.dma_semaphore, #tpu.memory_space<semaphore_mem>> -> memref<1x!tpu.dma_semaphore, #tpu.memory_space<semaphore_mem>>
    %dma_start3A_501 = tpu.memref_squeeze %dma_start3A_500 : memref<1x!tpu.dma_semaphore, #tpu.memory_space<semaphore_mem>> -> memref<!tpu.dma_semaphore, #tpu.memory_space<semaphore_mem>>
    %dma_start3A_502 = arith.constant 49152 : i32
    %dma_start3A_503 = tpu.memref_slice %arg4[%dma_start3A_502] : memref<114688xf32, #tpu.memory_space<vmem>> -> memref<16384xf32, #tpu.memory_space<vmem>>
    %dma_start3A_504 = arith.constant 32768 : i32
    %dma_start3A_505 = tpu.memref_slice %arg2[%add3A_209, %dma_start3A_504] : memref<384x65536xf32, #tpu.memory_space<hbm>> -> memref<1x16384xf32, #tpu.memory_space<hbm>>
    %dma_start3A_506 = tpu.memref_squeeze %dma_start3A_505 : memref<1x16384xf32, #tpu.memory_space<hbm>> -> memref<16384xf32, #tpu.memory_space<hbm>>
    tpu.enqueue_dma source(%dma_start3A_506 : memref<16384xf32, #tpu.memory_space<hbm>>) target(%dma_start3A_503 : memref<16384xf32, #tpu.memory_space<vmem>>) target_semaphore(%dma_start3A_501 : memref<!tpu.dma_semaphore, #tpu.memory_space<semaphore_mem>>)
    %dma_wait3A_507 = arith.constant 4 : i32
    %dma_wait3A_508 = arith.constant 65536 : i32
    %dma_wait3A_509 = tpu.memref_slice %arg4[%dma_wait3A_508] : memref<114688xf32, #tpu.memory_space<vmem>> -> memref<16384xf32, #tpu.memory_space<vmem>>
    %dma_wait3A_510 = arith.constant 0 : i32
    %dma_wait3A_511 = tpu.memref_slice %arg2[%add3A_136, %dma_wait3A_510] : memref<384x65536xf32, #tpu.memory_space<hbm>> -> memref<1x16384xf32, #tpu.memory_space<hbm>>
    %dma_wait3A_512 = tpu.memref_squeeze %dma_wait3A_511 : memref<1x16384xf32, #tpu.memory_space<hbm>> -> memref<16384xf32, #tpu.memory_space<hbm>>
    %dma_wait3A_513 = tpu.memref_slice %arg5[%dma_wait3A_507] : memref<7x!tpu.dma_semaphore, #tpu.memory_space<semaphore_mem>> -> memref<1x!tpu.dma_semaphore, #tpu.memory_space<semaphore_mem>>
    %dma_wait3A_514 = tpu.memref_squeeze %dma_wait3A_513 : memref<1x!tpu.dma_semaphore, #tpu.memory_space<semaphore_mem>> -> memref<!tpu.dma_semaphore, #tpu.memory_space<semaphore_mem>>
    %dma_wait3A_515 = arith.constant 65536 : i32
    %dma_wait3A_516 = tpu.memref_slice %arg4[%dma_wait3A_515] : memref<114688xf32, #tpu.memory_space<vmem>> -> memref<16384xf32, #tpu.memory_space<vmem>>
    %dma_wait3A_517 = arith.constant 0 : i32
    %dma_wait3A_518 = tpu.memref_slice %arg2[%add3A_136, %dma_wait3A_517] : memref<384x65536xf32, #tpu.memory_space<hbm>> -> memref<1x16384xf32, #tpu.memory_space<hbm>>
    %dma_wait3A_519 = tpu.memref_squeeze %dma_wait3A_518 : memref<1x16384xf32, #tpu.memory_space<hbm>> -> memref<16384xf32, #tpu.memory_space<hbm>>
    tpu.wait_dma2 semaphore(%dma_wait3A_514 : memref<!tpu.dma_semaphore, #tpu.memory_space<semaphore_mem>>) src(%dma_wait3A_519 : memref<16384xf32, #tpu.memory_space<hbm>>) dst(%dma_wait3A_516 : memref<16384xf32, #tpu.memory_space<vmem>>)
    %dma_start3A_520 = arith.constant 4 : i32
    %dma_start3A_521 = arith.constant 65536 : i32
    %dma_start3A_522 = tpu.memref_slice %arg4[%dma_start3A_521] : memref<114688xf32, #tpu.memory_space<vmem>> -> memref<16384xf32, #tpu.memory_space<vmem>>
    %dma_start3A_523 = arith.constant 0 : i32
    %dma_start3A_524 = tpu.memref_slice %arg3[%add3A_67, %dma_start3A_523] : memref<96x65536xf32, #tpu.memory_space<hbm>> -> memref<1x16384xf32, #tpu.memory_space<hbm>>
    %dma_start3A_525 = tpu.memref_squeeze %dma_start3A_524 : memref<1x16384xf32, #tpu.memory_space<hbm>> -> memref<16384xf32, #tpu.memory_space<hbm>>
    %dma_start3A_526 = tpu.memref_slice %arg6[%dma_start3A_520] : memref<7x!tpu.dma_semaphore, #tpu.memory_space<semaphore_mem>> -> memref<1x!tpu.dma_semaphore, #tpu.memory_space<semaphore_mem>>
    %dma_start3A_527 = tpu.memref_squeeze %dma_start3A_526 : memref<1x!tpu.dma_semaphore, #tpu.memory_space<semaphore_mem>> -> memref<!tpu.dma_semaphore, #tpu.memory_space<semaphore_mem>>
    %dma_start3A_528 = arith.constant 0 : i32
    %dma_start3A_529 = tpu.memref_slice %arg3[%add3A_67, %dma_start3A_528] : memref<96x65536xf32, #tpu.memory_space<hbm>> -> memref<1x16384xf32, #tpu.memory_space<hbm>>
    %dma_start3A_530 = tpu.memref_squeeze %dma_start3A_529 : memref<1x16384xf32, #tpu.memory_space<hbm>> -> memref<16384xf32, #tpu.memory_space<hbm>>
    %dma_start3A_531 = arith.constant 65536 : i32
    %dma_start3A_532 = tpu.memref_slice %arg4[%dma_start3A_531] : memref<114688xf32, #tpu.memory_space<vmem>> -> memref<16384xf32, #tpu.memory_space<vmem>>
    tpu.enqueue_dma source(%dma_start3A_532 : memref<16384xf32, #tpu.memory_space<vmem>>) target(%dma_start3A_530 : memref<16384xf32, #tpu.memory_space<hbm>>) target_semaphore(%dma_start3A_527 : memref<!tpu.dma_semaphore, #tpu.memory_space<semaphore_mem>>)
    %dma_wait3A_533 = arith.constant 4 : i32
    %dma_wait3A_534 = arith.constant 65536 : i32
    %dma_wait3A_535 = tpu.memref_slice %arg4[%dma_wait3A_534] : memref<114688xf32, #tpu.memory_space<vmem>> -> memref<16384xf32, #tpu.memory_space<vmem>>
    %dma_wait3A_536 = arith.constant 0 : i32
    %dma_wait3A_537 = tpu.memref_slice %arg3[%add3A_67, %dma_wait3A_536] : memref<96x65536xf32, #tpu.memory_space<hbm>> -> memref<1x16384xf32, #tpu.memory_space<hbm>>
    %dma_wait3A_538 = tpu.memref_squeeze %dma_wait3A_537 : memref<1x16384xf32, #tpu.memory_space<hbm>> -> memref<16384xf32, #tpu.memory_space<hbm>>
    %dma_wait3A_539 = tpu.memref_slice %arg6[%dma_wait3A_533] : memref<7x!tpu.dma_semaphore, #tpu.memory_space<semaphore_mem>> -> memref<1x!tpu.dma_semaphore, #tpu.memory_space<semaphore_mem>>
    %dma_wait3A_540 = tpu.memref_squeeze %dma_wait3A_539 : memref<1x!tpu.dma_semaphore, #tpu.memory_space<semaphore_mem>> -> memref<!tpu.dma_semaphore, #tpu.memory_space<semaphore_mem>>
    %dma_wait3A_541 = arith.constant 0 : i32
    %dma_wait3A_542 = tpu.memref_slice %arg3[%add3A_67, %dma_wait3A_541] : memref<96x65536xf32, #tpu.memory_space<hbm>> -> memref<1x16384xf32, #tpu.memory_space<hbm>>
    %dma_wait3A_543 = tpu.memref_squeeze %dma_wait3A_542 : memref<1x16384xf32, #tpu.memory_space<hbm>> -> memref<16384xf32, #tpu.memory_space<hbm>>
    %dma_wait3A_544 = arith.constant 65536 : i32
    %dma_wait3A_545 = tpu.memref_slice %arg4[%dma_wait3A_544] : memref<114688xf32, #tpu.memory_space<vmem>> -> memref<16384xf32, #tpu.memory_space<vmem>>
    tpu.wait_dma2 semaphore(%dma_wait3A_540 : memref<!tpu.dma_semaphore, #tpu.memory_space<semaphore_mem>>) src(%dma_wait3A_545 : memref<16384xf32, #tpu.memory_space<vmem>>) dst(%dma_wait3A_543 : memref<16384xf32, #tpu.memory_space<hbm>>)
    %dma_start3A_546 = arith.constant 4 : i32
    %dma_start3A_547 = arith.constant 65536 : i32
    %dma_start3A_548 = tpu.memref_slice %arg4[%dma_start3A_547] : memref<114688xf32, #tpu.memory_space<vmem>> -> memref<16384xf32, #tpu.memory_space<vmem>>
    %dma_start3A_549 = arith.constant 49152 : i32
    %dma_start3A_550 = tpu.memref_slice %arg2[%add3A_209, %dma_start3A_549] : memref<384x65536xf32, #tpu.memory_space<hbm>> -> memref<1x16384xf32, #tpu.memory_space<hbm>>
    %dma_start3A_551 = tpu.memref_squeeze %dma_start3A_550 : memref<1x16384xf32, #tpu.memory_space<hbm>> -> memref<16384xf32, #tpu.memory_space<hbm>>
    %dma_start3A_552 = tpu.memref_slice %arg5[%dma_start3A_546] : memref<7x!tpu.dma_semaphore, #tpu.memory_space<semaphore_mem>> -> memref<1x!tpu.dma_semaphore, #tpu.memory_space<semaphore_mem>>
    %dma_start3A_553 = tpu.memref_squeeze %dma_start3A_552 : memref<1x!tpu.dma_semaphore, #tpu.memory_space<semaphore_mem>> -> memref<!tpu.dma_semaphore, #tpu.memory_space<semaphore_mem>>
    %dma_start3A_554 = arith.constant 65536 : i32
    %dma_start3A_555 = tpu.memref_slice %arg4[%dma_start3A_554] : memref<114688xf32, #tpu.memory_space<vmem>> -> memref<16384xf32, #tpu.memory_space<vmem>>
    %dma_start3A_556 = arith.constant 49152 : i32
    %dma_start3A_557 = tpu.memref_slice %arg2[%add3A_209, %dma_start3A_556] : memref<384x65536xf32, #tpu.memory_space<hbm>> -> memref<1x16384xf32, #tpu.memory_space<hbm>>
    %dma_start3A_558 = tpu.memref_squeeze %dma_start3A_557 : memref<1x16384xf32, #tpu.memory_space<hbm>> -> memref<16384xf32, #tpu.memory_space<hbm>>
    tpu.enqueue_dma source(%dma_start3A_558 : memref<16384xf32, #tpu.memory_space<hbm>>) target(%dma_start3A_555 : memref<16384xf32, #tpu.memory_space<vmem>>) target_semaphore(%dma_start3A_553 : memref<!tpu.dma_semaphore, #tpu.memory_space<semaphore_mem>>)
    %dma_wait3A_559 = arith.constant 5 : i32
    %dma_wait3A_560 = arith.constant 81920 : i32
    %dma_wait3A_561 = tpu.memref_slice %arg4[%dma_wait3A_560] : memref<114688xf32, #tpu.memory_space<vmem>> -> memref<16384xf32, #tpu.memory_space<vmem>>
    %dma_wait3A_562 = arith.constant 16384 : i32
    %dma_wait3A_563 = tpu.memref_slice %arg2[%add3A_136, %dma_wait3A_562] : memref<384x65536xf32, #tpu.memory_space<hbm>> -> memref<1x16384xf32, #tpu.memory_space<hbm>>
    %dma_wait3A_564 = tpu.memref_squeeze %dma_wait3A_563 : memref<1x16384xf32, #tpu.memory_space<hbm>> -> memref<16384xf32, #tpu.memory_space<hbm>>
    %dma_wait3A_565 = tpu.memref_slice %arg5[%dma_wait3A_559] : memref<7x!tpu.dma_semaphore, #tpu.memory_space<semaphore_mem>> -> memref<1x!tpu.dma_semaphore, #tpu.memory_space<semaphore_mem>>
    %dma_wait3A_566 = tpu.memref_squeeze %dma_wait3A_565 : memref<1x!tpu.dma_semaphore, #tpu.memory_space<semaphore_mem>> -> memref<!tpu.dma_semaphore, #tpu.memory_space<semaphore_mem>>
    %dma_wait3A_567 = arith.constant 81920 : i32
    %dma_wait3A_568 = tpu.memref_slice %arg4[%dma_wait3A_567] : memref<114688xf32, #tpu.memory_space<vmem>> -> memref<16384xf32, #tpu.memory_space<vmem>>
    %dma_wait3A_569 = arith.constant 16384 : i32
    %dma_wait3A_570 = tpu.memref_slice %arg2[%add3A_136, %dma_wait3A_569] : memref<384x65536xf32, #tpu.memory_space<hbm>> -> memref<1x16384xf32, #tpu.memory_space<hbm>>
    %dma_wait3A_571 = tpu.memref_squeeze %dma_wait3A_570 : memref<1x16384xf32, #tpu.memory_space<hbm>> -> memref<16384xf32, #tpu.memory_space<hbm>>
    tpu.wait_dma2 semaphore(%dma_wait3A_566 : memref<!tpu.dma_semaphore, #tpu.memory_space<semaphore_mem>>) src(%dma_wait3A_571 : memref<16384xf32, #tpu.memory_space<hbm>>) dst(%dma_wait3A_568 : memref<16384xf32, #tpu.memory_space<vmem>>)
    %dma_start3A_572 = arith.constant 5 : i32
    %dma_start3A_573 = arith.constant 81920 : i32
    %dma_start3A_574 = tpu.memref_slice %arg4[%dma_start3A_573] : memref<114688xf32, #tpu.memory_space<vmem>> -> memref<16384xf32, #tpu.memory_space<vmem>>
    %dma_start3A_575 = arith.constant 16384 : i32
    %dma_start3A_576 = tpu.memref_slice %arg3[%add3A_67, %dma_start3A_575] : memref<96x65536xf32, #tpu.memory_space<hbm>> -> memref<1x16384xf32, #tpu.memory_space<hbm>>
    %dma_start3A_577 = tpu.memref_squeeze %dma_start3A_576 : memref<1x16384xf32, #tpu.memory_space<hbm>> -> memref<16384xf32, #tpu.memory_space<hbm>>
    %dma_start3A_578 = tpu.memref_slice %arg6[%dma_start3A_572] : memref<7x!tpu.dma_semaphore, #tpu.memory_space<semaphore_mem>> -> memref<1x!tpu.dma_semaphore, #tpu.memory_space<semaphore_mem>>
    %dma_start3A_579 = tpu.memref_squeeze %dma_start3A_578 : memref<1x!tpu.dma_semaphore, #tpu.memory_space<semaphore_mem>> -> memref<!tpu.dma_semaphore, #tpu.memory_space<semaphore_mem>>
    %dma_start3A_580 = arith.constant 16384 : i32
    %dma_start3A_581 = tpu.memref_slice %arg3[%add3A_67, %dma_start3A_580] : memref<96x65536xf32, #tpu.memory_space<hbm>> -> memref<1x16384xf32, #tpu.memory_space<hbm>>
    %dma_start3A_582 = tpu.memref_squeeze %dma_start3A_581 : memref<1x16384xf32, #tpu.memory_space<hbm>> -> memref<16384xf32, #tpu.memory_space<hbm>>
    %dma_start3A_583 = arith.constant 81920 : i32
    %dma_start3A_584 = tpu.memref_slice %arg4[%dma_start3A_583] : memref<114688xf32, #tpu.memory_space<vmem>> -> memref<16384xf32, #tpu.memory_space<vmem>>
    tpu.enqueue_dma source(%dma_start3A_584 : memref<16384xf32, #tpu.memory_space<vmem>>) target(%dma_start3A_582 : memref<16384xf32, #tpu.memory_space<hbm>>) target_semaphore(%dma_start3A_579 : memref<!tpu.dma_semaphore, #tpu.memory_space<semaphore_mem>>)
    %dma_wait3A_585 = arith.constant 6 : i32
    %dma_wait3A_586 = arith.constant 98304 : i32
    %dma_wait3A_587 = tpu.memref_slice %arg4[%dma_wait3A_586] : memref<114688xf32, #tpu.memory_space<vmem>> -> memref<16384xf32, #tpu.memory_space<vmem>>
    %dma_wait3A_588 = arith.constant 32768 : i32
    %dma_wait3A_589 = tpu.memref_slice %arg2[%add3A_136, %dma_wait3A_588] : memref<384x65536xf32, #tpu.memory_space<hbm>> -> memref<1x16384xf32, #tpu.memory_space<hbm>>
    %dma_wait3A_590 = tpu.memref_squeeze %dma_wait3A_589 : memref<1x16384xf32, #tpu.memory_space<hbm>> -> memref<16384xf32, #tpu.memory_space<hbm>>
    %dma_wait3A_591 = tpu.memref_slice %arg5[%dma_wait3A_585] : memref<7x!tpu.dma_semaphore, #tpu.memory_space<semaphore_mem>> -> memref<1x!tpu.dma_semaphore, #tpu.memory_space<semaphore_mem>>
    %dma_wait3A_592 = tpu.memref_squeeze %dma_wait3A_591 : memref<1x!tpu.dma_semaphore, #tpu.memory_space<semaphore_mem>> -> memref<!tpu.dma_semaphore, #tpu.memory_space<semaphore_mem>>
    %dma_wait3A_593 = arith.constant 98304 : i32
    %dma_wait3A_594 = tpu.memref_slice %arg4[%dma_wait3A_593] : memref<114688xf32, #tpu.memory_space<vmem>> -> memref<16384xf32, #tpu.memory_space<vmem>>
    %dma_wait3A_595 = arith.constant 32768 : i32
    %dma_wait3A_596 = tpu.memref_slice %arg2[%add3A_136, %dma_wait3A_595] : memref<384x65536xf32, #tpu.memory_space<hbm>> -> memref<1x16384xf32, #tpu.memory_space<hbm>>
    %dma_wait3A_597 = tpu.memref_squeeze %dma_wait3A_596 : memref<1x16384xf32, #tpu.memory_space<hbm>> -> memref<16384xf32, #tpu.memory_space<hbm>>
    tpu.wait_dma2 semaphore(%dma_wait3A_592 : memref<!tpu.dma_semaphore, #tpu.memory_space<semaphore_mem>>) src(%dma_wait3A_597 : memref<16384xf32, #tpu.memory_space<hbm>>) dst(%dma_wait3A_594 : memref<16384xf32, #tpu.memory_space<vmem>>)
    %dma_start3A_598 = arith.constant 6 : i32
    %dma_start3A_599 = arith.constant 98304 : i32
    %dma_start3A_600 = tpu.memref_slice %arg4[%dma_start3A_599] : memref<114688xf32, #tpu.memory_space<vmem>> -> memref<16384xf32, #tpu.memory_space<vmem>>
    %dma_start3A_601 = arith.constant 32768 : i32
    %dma_start3A_602 = tpu.memref_slice %arg3[%add3A_67, %dma_start3A_601] : memref<96x65536xf32, #tpu.memory_space<hbm>> -> memref<1x16384xf32, #tpu.memory_space<hbm>>
    %dma_start3A_603 = tpu.memref_squeeze %dma_start3A_602 : memref<1x16384xf32, #tpu.memory_space<hbm>> -> memref<16384xf32, #tpu.memory_space<hbm>>
    %dma_start3A_604 = tpu.memref_slice %arg6[%dma_start3A_598] : memref<7x!tpu.dma_semaphore, #tpu.memory_space<semaphore_mem>> -> memref<1x!tpu.dma_semaphore, #tpu.memory_space<semaphore_mem>>
    %dma_start3A_605 = tpu.memref_squeeze %dma_start3A_604 : memref<1x!tpu.dma_semaphore, #tpu.memory_space<semaphore_mem>> -> memref<!tpu.dma_semaphore, #tpu.memory_space<semaphore_mem>>
    %dma_start3A_606 = arith.constant 32768 : i32
    %dma_start3A_607 = tpu.memref_slice %arg3[%add3A_67, %dma_start3A_606] : memref<96x65536xf32, #tpu.memory_space<hbm>> -> memref<1x16384xf32, #tpu.memory_space<hbm>>
    %dma_start3A_608 = tpu.memref_squeeze %dma_start3A_607 : memref<1x16384xf32, #tpu.memory_space<hbm>> -> memref<16384xf32, #tpu.memory_space<hbm>>
    %dma_start3A_609 = arith.constant 98304 : i32
    %dma_start3A_610 = tpu.memref_slice %arg4[%dma_start3A_609] : memref<114688xf32, #tpu.memory_space<vmem>> -> memref<16384xf32, #tpu.memory_space<vmem>>
    tpu.enqueue_dma source(%dma_start3A_610 : memref<16384xf32, #tpu.memory_space<vmem>>) target(%dma_start3A_608 : memref<16384xf32, #tpu.memory_space<hbm>>) target_semaphore(%dma_start3A_605 : memref<!tpu.dma_semaphore, #tpu.memory_space<semaphore_mem>>)
    %dma_wait3A_611 = arith.constant 0 : i32
    %dma_wait3A_612 = arith.constant 0 : i32
    %dma_wait3A_613 = tpu.memref_slice %arg4[%dma_wait3A_612] : memref<114688xf32, #tpu.memory_space<vmem>> -> memref<16384xf32, #tpu.memory_space<vmem>>
    %dma_wait3A_614 = arith.constant 49152 : i32
    %dma_wait3A_615 = tpu.memref_slice %arg2[%add3A_136, %dma_wait3A_614] : memref<384x65536xf32, #tpu.memory_space<hbm>> -> memref<1x16384xf32, #tpu.memory_space<hbm>>
    %dma_wait3A_616 = tpu.memref_squeeze %dma_wait3A_615 : memref<1x16384xf32, #tpu.memory_space<hbm>> -> memref<16384xf32, #tpu.memory_space<hbm>>
    %dma_wait3A_617 = tpu.memref_slice %arg5[%dma_wait3A_611] : memref<7x!tpu.dma_semaphore, #tpu.memory_space<semaphore_mem>> -> memref<1x!tpu.dma_semaphore, #tpu.memory_space<semaphore_mem>>
    %dma_wait3A_618 = tpu.memref_squeeze %dma_wait3A_617 : memref<1x!tpu.dma_semaphore, #tpu.memory_space<semaphore_mem>> -> memref<!tpu.dma_semaphore, #tpu.memory_space<semaphore_mem>>
    %dma_wait3A_619 = arith.constant 0 : i32
    %dma_wait3A_620 = tpu.memref_slice %arg4[%dma_wait3A_619] : memref<114688xf32, #tpu.memory_space<vmem>> -> memref<16384xf32, #tpu.memory_space<vmem>>
    %dma_wait3A_621 = arith.constant 49152 : i32
    %dma_wait3A_622 = tpu.memref_slice %arg2[%add3A_136, %dma_wait3A_621] : memref<384x65536xf32, #tpu.memory_space<hbm>> -> memref<1x16384xf32, #tpu.memory_space<hbm>>
    %dma_wait3A_623 = tpu.memref_squeeze %dma_wait3A_622 : memref<1x16384xf32, #tpu.memory_space<hbm>> -> memref<16384xf32, #tpu.memory_space<hbm>>
    tpu.wait_dma2 semaphore(%dma_wait3A_618 : memref<!tpu.dma_semaphore, #tpu.memory_space<semaphore_mem>>) src(%dma_wait3A_623 : memref<16384xf32, #tpu.memory_space<hbm>>) dst(%dma_wait3A_620 : memref<16384xf32, #tpu.memory_space<vmem>>)
    %dma_start3A_624 = arith.constant 0 : i32
    %dma_start3A_625 = arith.constant 0 : i32
    %dma_start3A_626 = tpu.memref_slice %arg4[%dma_start3A_625] : memref<114688xf32, #tpu.memory_space<vmem>> -> memref<16384xf32, #tpu.memory_space<vmem>>
    %dma_start3A_627 = arith.constant 49152 : i32
    %dma_start3A_628 = tpu.memref_slice %arg3[%add3A_67, %dma_start3A_627] : memref<96x65536xf32, #tpu.memory_space<hbm>> -> memref<1x16384xf32, #tpu.memory_space<hbm>>
    %dma_start3A_629 = tpu.memref_squeeze %dma_start3A_628 : memref<1x16384xf32, #tpu.memory_space<hbm>> -> memref<16384xf32, #tpu.memory_space<hbm>>
    %dma_start3A_630 = tpu.memref_slice %arg6[%dma_start3A_624] : memref<7x!tpu.dma_semaphore, #tpu.memory_space<semaphore_mem>> -> memref<1x!tpu.dma_semaphore, #tpu.memory_space<semaphore_mem>>
    %dma_start3A_631 = tpu.memref_squeeze %dma_start3A_630 : memref<1x!tpu.dma_semaphore, #tpu.memory_space<semaphore_mem>> -> memref<!tpu.dma_semaphore, #tpu.memory_space<semaphore_mem>>
    %dma_start3A_632 = arith.constant 49152 : i32
    %dma_start3A_633 = tpu.memref_slice %arg3[%add3A_67, %dma_start3A_632] : memref<96x65536xf32, #tpu.memory_space<hbm>> -> memref<1x16384xf32, #tpu.memory_space<hbm>>
    %dma_start3A_634 = tpu.memref_squeeze %dma_start3A_633 : memref<1x16384xf32, #tpu.memory_space<hbm>> -> memref<16384xf32, #tpu.memory_space<hbm>>
    %dma_start3A_635 = arith.constant 0 : i32
    %dma_start3A_636 = tpu.memref_slice %arg4[%dma_start3A_635] : memref<114688xf32, #tpu.memory_space<vmem>> -> memref<16384xf32, #tpu.memory_space<vmem>>
    tpu.enqueue_dma source(%dma_start3A_636 : memref<16384xf32, #tpu.memory_space<vmem>>) target(%dma_start3A_634 : memref<16384xf32, #tpu.memory_space<hbm>>) target_semaphore(%dma_start3A_631 : memref<!tpu.dma_semaphore, #tpu.memory_space<semaphore_mem>>)
    %dma_wait3A_637 = arith.constant 1 : i32
    %dma_wait3A_638 = arith.constant 16384 : i32
    %dma_wait3A_639 = tpu.memref_slice %arg4[%dma_wait3A_638] : memref<114688xf32, #tpu.memory_space<vmem>> -> memref<16384xf32, #tpu.memory_space<vmem>>
    %dma_wait3A_640 = arith.constant 0 : i32
    %dma_wait3A_641 = tpu.memref_slice %arg2[%add3A_209, %dma_wait3A_640] : memref<384x65536xf32, #tpu.memory_space<hbm>> -> memref<1x16384xf32, #tpu.memory_space<hbm>>
    %dma_wait3A_642 = tpu.memref_squeeze %dma_wait3A_641 : memref<1x16384xf32, #tpu.memory_space<hbm>> -> memref<16384xf32, #tpu.memory_space<hbm>>
    %dma_wait3A_643 = tpu.memref_slice %arg5[%dma_wait3A_637] : memref<7x!tpu.dma_semaphore, #tpu.memory_space<semaphore_mem>> -> memref<1x!tpu.dma_semaphore, #tpu.memory_space<semaphore_mem>>
    %dma_wait3A_644 = tpu.memref_squeeze %dma_wait3A_643 : memref<1x!tpu.dma_semaphore, #tpu.memory_space<semaphore_mem>> -> memref<!tpu.dma_semaphore, #tpu.memory_space<semaphore_mem>>
    %dma_wait3A_645 = arith.constant 16384 : i32
    %dma_wait3A_646 = tpu.memref_slice %arg4[%dma_wait3A_645] : memref<114688xf32, #tpu.memory_space<vmem>> -> memref<16384xf32, #tpu.memory_space<vmem>>
    %dma_wait3A_647 = arith.constant 0 : i32
    %dma_wait3A_648 = tpu.memref_slice %arg2[%add3A_209, %dma_wait3A_647] : memref<384x65536xf32, #tpu.memory_space<hbm>> -> memref<1x16384xf32, #tpu.memory_space<hbm>>
    %dma_wait3A_649 = tpu.memref_squeeze %dma_wait3A_648 : memref<1x16384xf32, #tpu.memory_space<hbm>> -> memref<16384xf32, #tpu.memory_space<hbm>>
    tpu.wait_dma2 semaphore(%dma_wait3A_644 : memref<!tpu.dma_semaphore, #tpu.memory_space<semaphore_mem>>) src(%dma_wait3A_649 : memref<16384xf32, #tpu.memory_space<hbm>>) dst(%dma_wait3A_646 : memref<16384xf32, #tpu.memory_space<vmem>>)
    %dma_start3A_650 = arith.constant 1 : i32
    %dma_start3A_651 = arith.constant 16384 : i32
    %dma_start3A_652 = tpu.memref_slice %arg4[%dma_start3A_651] : memref<114688xf32, #tpu.memory_space<vmem>> -> memref<16384xf32, #tpu.memory_space<vmem>>
    %dma_start3A_653 = arith.constant 0 : i32
    %dma_start3A_654 = tpu.memref_slice %arg3[%add3A_140, %dma_start3A_653] : memref<96x65536xf32, #tpu.memory_space<hbm>> -> memref<1x16384xf32, #tpu.memory_space<hbm>>
    %dma_start3A_655 = tpu.memref_squeeze %dma_start3A_654 : memref<1x16384xf32, #tpu.memory_space<hbm>> -> memref<16384xf32, #tpu.memory_space<hbm>>
    %dma_start3A_656 = tpu.memref_slice %arg6[%dma_start3A_650] : memref<7x!tpu.dma_semaphore, #tpu.memory_space<semaphore_mem>> -> memref<1x!tpu.dma_semaphore, #tpu.memory_space<semaphore_mem>>
    %dma_start3A_657 = tpu.memref_squeeze %dma_start3A_656 : memref<1x!tpu.dma_semaphore, #tpu.memory_space<semaphore_mem>> -> memref<!tpu.dma_semaphore, #tpu.memory_space<semaphore_mem>>
    %dma_start3A_658 = arith.constant 0 : i32
    %dma_start3A_659 = tpu.memref_slice %arg3[%add3A_140, %dma_start3A_658] : memref<96x65536xf32, #tpu.memory_space<hbm>> -> memref<1x16384xf32, #tpu.memory_space<hbm>>
    %dma_start3A_660 = tpu.memref_squeeze %dma_start3A_659 : memref<1x16384xf32, #tpu.memory_space<hbm>> -> memref<16384xf32, #tpu.memory_space<hbm>>
    %dma_start3A_661 = arith.constant 16384 : i32
    %dma_start3A_662 = tpu.memref_slice %arg4[%dma_start3A_661] : memref<114688xf32, #tpu.memory_space<vmem>> -> memref<16384xf32, #tpu.memory_space<vmem>>
    tpu.enqueue_dma source(%dma_start3A_662 : memref<16384xf32, #tpu.memory_space<vmem>>) target(%dma_start3A_660 : memref<16384xf32, #tpu.memory_space<hbm>>) target_semaphore(%dma_start3A_657 : memref<!tpu.dma_semaphore, #tpu.memory_space<semaphore_mem>>)
    %dma_wait3A_663 = arith.constant 2 : i32
    %dma_wait3A_664 = arith.constant 32768 : i32
    %dma_wait3A_665 = tpu.memref_slice %arg4[%dma_wait3A_664] : memref<114688xf32, #tpu.memory_space<vmem>> -> memref<16384xf32, #tpu.memory_space<vmem>>
    %dma_wait3A_666 = arith.constant 16384 : i32
    %dma_wait3A_667 = tpu.memref_slice %arg2[%add3A_209, %dma_wait3A_666] : memref<384x65536xf32, #tpu.memory_space<hbm>> -> memref<1x16384xf32, #tpu.memory_space<hbm>>
    %dma_wait3A_668 = tpu.memref_squeeze %dma_wait3A_667 : memref<1x16384xf32, #tpu.memory_space<hbm>> -> memref<16384xf32, #tpu.memory_space<hbm>>
    %dma_wait3A_669 = tpu.memref_slice %arg5[%dma_wait3A_663] : memref<7x!tpu.dma_semaphore, #tpu.memory_space<semaphore_mem>> -> memref<1x!tpu.dma_semaphore, #tpu.memory_space<semaphore_mem>>
    %dma_wait3A_670 = tpu.memref_squeeze %dma_wait3A_669 : memref<1x!tpu.dma_semaphore, #tpu.memory_space<semaphore_mem>> -> memref<!tpu.dma_semaphore, #tpu.memory_space<semaphore_mem>>
    %dma_wait3A_671 = arith.constant 32768 : i32
    %dma_wait3A_672 = tpu.memref_slice %arg4[%dma_wait3A_671] : memref<114688xf32, #tpu.memory_space<vmem>> -> memref<16384xf32, #tpu.memory_space<vmem>>
    %dma_wait3A_673 = arith.constant 16384 : i32
    %dma_wait3A_674 = tpu.memref_slice %arg2[%add3A_209, %dma_wait3A_673] : memref<384x65536xf32, #tpu.memory_space<hbm>> -> memref<1x16384xf32, #tpu.memory_space<hbm>>
    %dma_wait3A_675 = tpu.memref_squeeze %dma_wait3A_674 : memref<1x16384xf32, #tpu.memory_space<hbm>> -> memref<16384xf32, #tpu.memory_space<hbm>>
    tpu.wait_dma2 semaphore(%dma_wait3A_670 : memref<!tpu.dma_semaphore, #tpu.memory_space<semaphore_mem>>) src(%dma_wait3A_675 : memref<16384xf32, #tpu.memory_space<hbm>>) dst(%dma_wait3A_672 : memref<16384xf32, #tpu.memory_space<vmem>>)
    %dma_start3A_676 = arith.constant 2 : i32
    %dma_start3A_677 = arith.constant 32768 : i32
    %dma_start3A_678 = tpu.memref_slice %arg4[%dma_start3A_677] : memref<114688xf32, #tpu.memory_space<vmem>> -> memref<16384xf32, #tpu.memory_space<vmem>>
    %dma_start3A_679 = arith.constant 16384 : i32
    %dma_start3A_680 = tpu.memref_slice %arg3[%add3A_140, %dma_start3A_679] : memref<96x65536xf32, #tpu.memory_space<hbm>> -> memref<1x16384xf32, #tpu.memory_space<hbm>>
    %dma_start3A_681 = tpu.memref_squeeze %dma_start3A_680 : memref<1x16384xf32, #tpu.memory_space<hbm>> -> memref<16384xf32, #tpu.memory_space<hbm>>
    %dma_start3A_682 = tpu.memref_slice %arg6[%dma_start3A_676] : memref<7x!tpu.dma_semaphore, #tpu.memory_space<semaphore_mem>> -> memref<1x!tpu.dma_semaphore, #tpu.memory_space<semaphore_mem>>
    %dma_start3A_683 = tpu.memref_squeeze %dma_start3A_682 : memref<1x!tpu.dma_semaphore, #tpu.memory_space<semaphore_mem>> -> memref<!tpu.dma_semaphore, #tpu.memory_space<semaphore_mem>>
    %dma_start3A_684 = arith.constant 16384 : i32
    %dma_start3A_685 = tpu.memref_slice %arg3[%add3A_140, %dma_start3A_684] : memref<96x65536xf32, #tpu.memory_space<hbm>> -> memref<1x16384xf32, #tpu.memory_space<hbm>>
    %dma_start3A_686 = tpu.memref_squeeze %dma_start3A_685 : memref<1x16384xf32, #tpu.memory_space<hbm>> -> memref<16384xf32, #tpu.memory_space<hbm>>
    %dma_start3A_687 = arith.constant 32768 : i32
    %dma_start3A_688 = tpu.memref_slice %arg4[%dma_start3A_687] : memref<114688xf32, #tpu.memory_space<vmem>> -> memref<16384xf32, #tpu.memory_space<vmem>>
    tpu.enqueue_dma source(%dma_start3A_688 : memref<16384xf32, #tpu.memory_space<vmem>>) target(%dma_start3A_686 : memref<16384xf32, #tpu.memory_space<hbm>>) target_semaphore(%dma_start3A_683 : memref<!tpu.dma_semaphore, #tpu.memory_space<semaphore_mem>>)
    %dma_wait3A_689 = arith.constant 3 : i32
    %dma_wait3A_690 = arith.constant 49152 : i32
    %dma_wait3A_691 = tpu.memref_slice %arg4[%dma_wait3A_690] : memref<114688xf32, #tpu.memory_space<vmem>> -> memref<16384xf32, #tpu.memory_space<vmem>>
    %dma_wait3A_692 = arith.constant 32768 : i32
    %dma_wait3A_693 = tpu.memref_slice %arg2[%add3A_209, %dma_wait3A_692] : memref<384x65536xf32, #tpu.memory_space<hbm>> -> memref<1x16384xf32, #tpu.memory_space<hbm>>
    %dma_wait3A_694 = tpu.memref_squeeze %dma_wait3A_693 : memref<1x16384xf32, #tpu.memory_space<hbm>> -> memref<16384xf32, #tpu.memory_space<hbm>>
    %dma_wait3A_695 = tpu.memref_slice %arg5[%dma_wait3A_689] : memref<7x!tpu.dma_semaphore, #tpu.memory_space<semaphore_mem>> -> memref<1x!tpu.dma_semaphore, #tpu.memory_space<semaphore_mem>>
    %dma_wait3A_696 = tpu.memref_squeeze %dma_wait3A_695 : memref<1x!tpu.dma_semaphore, #tpu.memory_space<semaphore_mem>> -> memref<!tpu.dma_semaphore, #tpu.memory_space<semaphore_mem>>
    %dma_wait3A_697 = arith.constant 49152 : i32
    %dma_wait3A_698 = tpu.memref_slice %arg4[%dma_wait3A_697] : memref<114688xf32, #tpu.memory_space<vmem>> -> memref<16384xf32, #tpu.memory_space<vmem>>
    %dma_wait3A_699 = arith.constant 32768 : i32
    %dma_wait3A_700 = tpu.memref_slice %arg2[%add3A_209, %dma_wait3A_699] : memref<384x65536xf32, #tpu.memory_space<hbm>> -> memref<1x16384xf32, #tpu.memory_space<hbm>>
    %dma_wait3A_701 = tpu.memref_squeeze %dma_wait3A_700 : memref<1x16384xf32, #tpu.memory_space<hbm>> -> memref<16384xf32, #tpu.memory_space<hbm>>
    tpu.wait_dma2 semaphore(%dma_wait3A_696 : memref<!tpu.dma_semaphore, #tpu.memory_space<semaphore_mem>>) src(%dma_wait3A_701 : memref<16384xf32, #tpu.memory_space<hbm>>) dst(%dma_wait3A_698 : memref<16384xf32, #tpu.memory_space<vmem>>)
    %dma_start3A_702 = arith.constant 3 : i32
    %dma_start3A_703 = arith.constant 49152 : i32
    %dma_start3A_704 = tpu.memref_slice %arg4[%dma_start3A_703] : memref<114688xf32, #tpu.memory_space<vmem>> -> memref<16384xf32, #tpu.memory_space<vmem>>
    %dma_start3A_705 = arith.constant 32768 : i32
    %dma_start3A_706 = tpu.memref_slice %arg3[%add3A_140, %dma_start3A_705] : memref<96x65536xf32, #tpu.memory_space<hbm>> -> memref<1x16384xf32, #tpu.memory_space<hbm>>
    %dma_start3A_707 = tpu.memref_squeeze %dma_start3A_706 : memref<1x16384xf32, #tpu.memory_space<hbm>> -> memref<16384xf32, #tpu.memory_space<hbm>>
    %dma_start3A_708 = tpu.memref_slice %arg6[%dma_start3A_702] : memref<7x!tpu.dma_semaphore, #tpu.memory_space<semaphore_mem>> -> memref<1x!tpu.dma_semaphore, #tpu.memory_space<semaphore_mem>>
    %dma_start3A_709 = tpu.memref_squeeze %dma_start3A_708 : memref<1x!tpu.dma_semaphore, #tpu.memory_space<semaphore_mem>> -> memref<!tpu.dma_semaphore, #tpu.memory_space<semaphore_mem>>
    %dma_start3A_710 = arith.constant 32768 : i32
    %dma_start3A_711 = tpu.memref_slice %arg3[%add3A_140, %dma_start3A_710] : memref<96x65536xf32, #tpu.memory_space<hbm>> -> memref<1x16384xf32, #tpu.memory_space<hbm>>
    %dma_start3A_712 = tpu.memref_squeeze %dma_start3A_711 : memref<1x16384xf32, #tpu.memory_space<hbm>> -> memref<16384xf32, #tpu.memory_space<hbm>>
    %dma_start3A_713 = arith.constant 49152 : i32
    %dma_start3A_714 = tpu.memref_slice %arg4[%dma_start3A_713] : memref<114688xf32, #tpu.memory_space<vmem>> -> memref<16384xf32, #tpu.memory_space<vmem>>
    tpu.enqueue_dma source(%dma_start3A_714 : memref<16384xf32, #tpu.memory_space<vmem>>) target(%dma_start3A_712 : memref<16384xf32, #tpu.memory_space<hbm>>) target_semaphore(%dma_start3A_709 : memref<!tpu.dma_semaphore, #tpu.memory_space<semaphore_mem>>)
    %dma_wait3A_715 = arith.constant 4 : i32
    %dma_wait3A_716 = arith.constant 65536 : i32
    %dma_wait3A_717 = tpu.memref_slice %arg4[%dma_wait3A_716] : memref<114688xf32, #tpu.memory_space<vmem>> -> memref<16384xf32, #tpu.memory_space<vmem>>
    %dma_wait3A_718 = arith.constant 49152 : i32
    %dma_wait3A_719 = tpu.memref_slice %arg2[%add3A_209, %dma_wait3A_718] : memref<384x65536xf32, #tpu.memory_space<hbm>> -> memref<1x16384xf32, #tpu.memory_space<hbm>>
    %dma_wait3A_720 = tpu.memref_squeeze %dma_wait3A_719 : memref<1x16384xf32, #tpu.memory_space<hbm>> -> memref<16384xf32, #tpu.memory_space<hbm>>
    %dma_wait3A_721 = tpu.memref_slice %arg5[%dma_wait3A_715] : memref<7x!tpu.dma_semaphore, #tpu.memory_space<semaphore_mem>> -> memref<1x!tpu.dma_semaphore, #tpu.memory_space<semaphore_mem>>
    %dma_wait3A_722 = tpu.memref_squeeze %dma_wait3A_721 : memref<1x!tpu.dma_semaphore, #tpu.memory_space<semaphore_mem>> -> memref<!tpu.dma_semaphore, #tpu.memory_space<semaphore_mem>>
    %dma_wait3A_723 = arith.constant 65536 : i32
    %dma_wait3A_724 = tpu.memref_slice %arg4[%dma_wait3A_723] : memref<114688xf32, #tpu.memory_space<vmem>> -> memref<16384xf32, #tpu.memory_space<vmem>>
    %dma_wait3A_725 = arith.constant 49152 : i32
    %dma_wait3A_726 = tpu.memref_slice %arg2[%add3A_209, %dma_wait3A_725] : memref<384x65536xf32, #tpu.memory_space<hbm>> -> memref<1x16384xf32, #tpu.memory_space<hbm>>
    %dma_wait3A_727 = tpu.memref_squeeze %dma_wait3A_726 : memref<1x16384xf32, #tpu.memory_space<hbm>> -> memref<16384xf32, #tpu.memory_space<hbm>>
    tpu.wait_dma2 semaphore(%dma_wait3A_722 : memref<!tpu.dma_semaphore, #tpu.memory_space<semaphore_mem>>) src(%dma_wait3A_727 : memref<16384xf32, #tpu.memory_space<hbm>>) dst(%dma_wait3A_724 : memref<16384xf32, #tpu.memory_space<vmem>>)
    %dma_start3A_728 = arith.constant 4 : i32
    %dma_start3A_729 = arith.constant 65536 : i32
    %dma_start3A_730 = tpu.memref_slice %arg4[%dma_start3A_729] : memref<114688xf32, #tpu.memory_space<vmem>> -> memref<16384xf32, #tpu.memory_space<vmem>>
    %dma_start3A_731 = arith.constant 49152 : i32
    %dma_start3A_732 = tpu.memref_slice %arg3[%add3A_140, %dma_start3A_731] : memref<96x65536xf32, #tpu.memory_space<hbm>> -> memref<1x16384xf32, #tpu.memory_space<hbm>>
    %dma_start3A_733 = tpu.memref_squeeze %dma_start3A_732 : memref<1x16384xf32, #tpu.memory_space<hbm>> -> memref<16384xf32, #tpu.memory_space<hbm>>
    %dma_start3A_734 = tpu.memref_slice %arg6[%dma_start3A_728] : memref<7x!tpu.dma_semaphore, #tpu.memory_space<semaphore_mem>> -> memref<1x!tpu.dma_semaphore, #tpu.memory_space<semaphore_mem>>
    %dma_start3A_735 = tpu.memref_squeeze %dma_start3A_734 : memref<1x!tpu.dma_semaphore, #tpu.memory_space<semaphore_mem>> -> memref<!tpu.dma_semaphore, #tpu.memory_space<semaphore_mem>>
    %dma_start3A_736 = arith.constant 49152 : i32
    %dma_start3A_737 = tpu.memref_slice %arg3[%add3A_140, %dma_start3A_736] : memref<96x65536xf32, #tpu.memory_space<hbm>> -> memref<1x16384xf32, #tpu.memory_space<hbm>>
    %dma_start3A_738 = tpu.memref_squeeze %dma_start3A_737 : memref<1x16384xf32, #tpu.memory_space<hbm>> -> memref<16384xf32, #tpu.memory_space<hbm>>
    %dma_start3A_739 = arith.constant 65536 : i32
    %dma_start3A_740 = tpu.memref_slice %arg4[%dma_start3A_739] : memref<114688xf32, #tpu.memory_space<vmem>> -> memref<16384xf32, #tpu.memory_space<vmem>>
    tpu.enqueue_dma source(%dma_start3A_740 : memref<16384xf32, #tpu.memory_space<vmem>>) target(%dma_start3A_738 : memref<16384xf32, #tpu.memory_space<hbm>>) target_semaphore(%dma_start3A_735 : memref<!tpu.dma_semaphore, #tpu.memory_space<semaphore_mem>>)
    %dma_wait3A_741 = arith.constant 5 : i32
    %dma_wait3A_742 = arith.constant 81920 : i32
    %dma_wait3A_743 = tpu.memref_slice %arg4[%dma_wait3A_742] : memref<114688xf32, #tpu.memory_space<vmem>> -> memref<16384xf32, #tpu.memory_space<vmem>>
    %dma_wait3A_744 = arith.constant 16384 : i32
    %dma_wait3A_745 = tpu.memref_slice %arg3[%add3A_67, %dma_wait3A_744] : memref<96x65536xf32, #tpu.memory_space<hbm>> -> memref<1x16384xf32, #tpu.memory_space<hbm>>
    %dma_wait3A_746 = tpu.memref_squeeze %dma_wait3A_745 : memref<1x16384xf32, #tpu.memory_space<hbm>> -> memref<16384xf32, #tpu.memory_space<hbm>>
    %dma_wait3A_747 = tpu.memref_slice %arg6[%dma_wait3A_741] : memref<7x!tpu.dma_semaphore, #tpu.memory_space<semaphore_mem>> -> memref<1x!tpu.dma_semaphore, #tpu.memory_space<semaphore_mem>>
    %dma_wait3A_748 = tpu.memref_squeeze %dma_wait3A_747 : memref<1x!tpu.dma_semaphore, #tpu.memory_space<semaphore_mem>> -> memref<!tpu.dma_semaphore, #tpu.memory_space<semaphore_mem>>
    %dma_wait3A_749 = arith.constant 16384 : i32
    %dma_wait3A_750 = tpu.memref_slice %arg3[%add3A_67, %dma_wait3A_749] : memref<96x65536xf32, #tpu.memory_space<hbm>> -> memref<1x16384xf32, #tpu.memory_space<hbm>>
    %dma_wait3A_751 = tpu.memref_squeeze %dma_wait3A_750 : memref<1x16384xf32, #tpu.memory_space<hbm>> -> memref<16384xf32, #tpu.memory_space<hbm>>
    %dma_wait3A_752 = arith.constant 81920 : i32
    %dma_wait3A_753 = tpu.memref_slice %arg4[%dma_wait3A_752] : memref<114688xf32, #tpu.memory_space<vmem>> -> memref<16384xf32, #tpu.memory_space<vmem>>
    tpu.wait_dma2 semaphore(%dma_wait3A_748 : memref<!tpu.dma_semaphore, #tpu.memory_space<semaphore_mem>>) src(%dma_wait3A_753 : memref<16384xf32, #tpu.memory_space<vmem>>) dst(%dma_wait3A_751 : memref<16384xf32, #tpu.memory_space<hbm>>)
    %dma_wait3A_754 = arith.constant 6 : i32
    %dma_wait3A_755 = arith.constant 98304 : i32
    %dma_wait3A_756 = tpu.memref_slice %arg4[%dma_wait3A_755] : memref<114688xf32, #tpu.memory_space<vmem>> -> memref<16384xf32, #tpu.memory_space<vmem>>
    %dma_wait3A_757 = arith.constant 32768 : i32
    %dma_wait3A_758 = tpu.memref_slice %arg3[%add3A_67, %dma_wait3A_757] : memref<96x65536xf32, #tpu.memory_space<hbm>> -> memref<1x16384xf32, #tpu.memory_space<hbm>>
    %dma_wait3A_759 = tpu.memref_squeeze %dma_wait3A_758 : memref<1x16384xf32, #tpu.memory_space<hbm>> -> memref<16384xf32, #tpu.memory_space<hbm>>
    %dma_wait3A_760 = tpu.memref_slice %arg6[%dma_wait3A_754] : memref<7x!tpu.dma_semaphore, #tpu.memory_space<semaphore_mem>> -> memref<1x!tpu.dma_semaphore, #tpu.memory_space<semaphore_mem>>
    %dma_wait3A_761 = tpu.memref_squeeze %dma_wait3A_760 : memref<1x!tpu.dma_semaphore, #tpu.memory_space<semaphore_mem>> -> memref<!tpu.dma_semaphore, #tpu.memory_space<semaphore_mem>>
    %dma_wait3A_762 = arith.constant 32768 : i32
    %dma_wait3A_763 = tpu.memref_slice %arg3[%add3A_67, %dma_wait3A_762] : memref<96x65536xf32, #tpu.memory_space<hbm>> -> memref<1x16384xf32, #tpu.memory_space<hbm>>
    %dma_wait3A_764 = tpu.memref_squeeze %dma_wait3A_763 : memref<1x16384xf32, #tpu.memory_space<hbm>> -> memref<16384xf32, #tpu.memory_space<hbm>>
    %dma_wait3A_765 = arith.constant 98304 : i32
    %dma_wait3A_766 = tpu.memref_slice %arg4[%dma_wait3A_765] : memref<114688xf32, #tpu.memory_space<vmem>> -> memref<16384xf32, #tpu.memory_space<vmem>>
    tpu.wait_dma2 semaphore(%dma_wait3A_761 : memref<!tpu.dma_semaphore, #tpu.memory_space<semaphore_mem>>) src(%dma_wait3A_766 : memref<16384xf32, #tpu.memory_space<vmem>>) dst(%dma_wait3A_764 : memref<16384xf32, #tpu.memory_space<hbm>>)
    %dma_wait3A_767 = arith.constant 0 : i32
    %dma_wait3A_768 = arith.constant 0 : i32
    %dma_wait3A_769 = tpu.memref_slice %arg4[%dma_wait3A_768] : memref<114688xf32, #tpu.memory_space<vmem>> -> memref<16384xf32, #tpu.memory_space<vmem>>
    %dma_wait3A_770 = arith.constant 49152 : i32
    %dma_wait3A_771 = tpu.memref_slice %arg3[%add3A_67, %dma_wait3A_770] : memref<96x65536xf32, #tpu.memory_space<hbm>> -> memref<1x16384xf32, #tpu.memory_space<hbm>>
    %dma_wait3A_772 = tpu.memref_squeeze %dma_wait3A_771 : memref<1x16384xf32, #tpu.memory_space<hbm>> -> memref<16384xf32, #tpu.memory_space<hbm>>
    %dma_wait3A_773 = tpu.memref_slice %arg6[%dma_wait3A_767] : memref<7x!tpu.dma_semaphore, #tpu.memory_space<semaphore_mem>> -> memref<1x!tpu.dma_semaphore, #tpu.memory_space<semaphore_mem>>
    %dma_wait3A_774 = tpu.memref_squeeze %dma_wait3A_773 : memref<1x!tpu.dma_semaphore, #tpu.memory_space<semaphore_mem>> -> memref<!tpu.dma_semaphore, #tpu.memory_space<semaphore_mem>>
    %dma_wait3A_775 = arith.constant 49152 : i32
    %dma_wait3A_776 = tpu.memref_slice %arg3[%add3A_67, %dma_wait3A_775] : memref<96x65536xf32, #tpu.memory_space<hbm>> -> memref<1x16384xf32, #tpu.memory_space<hbm>>
    %dma_wait3A_777 = tpu.memref_squeeze %dma_wait3A_776 : memref<1x16384xf32, #tpu.memory_space<hbm>> -> memref<16384xf32, #tpu.memory_space<hbm>>
    %dma_wait3A_778 = arith.constant 0 : i32
    %dma_wait3A_779 = tpu.memref_slice %arg4[%dma_wait3A_778] : memref<114688xf32, #tpu.memory_space<vmem>> -> memref<16384xf32, #tpu.memory_space<vmem>>
    tpu.wait_dma2 semaphore(%dma_wait3A_774 : memref<!tpu.dma_semaphore, #tpu.memory_space<semaphore_mem>>) src(%dma_wait3A_779 : memref<16384xf32, #tpu.memory_space<vmem>>) dst(%dma_wait3A_777 : memref<16384xf32, #tpu.memory_space<hbm>>)
    %dma_wait3A_780 = arith.constant 1 : i32
    %dma_wait3A_781 = arith.constant 16384 : i32
    %dma_wait3A_782 = tpu.memref_slice %arg4[%dma_wait3A_781] : memref<114688xf32, #tpu.memory_space<vmem>> -> memref<16384xf32, #tpu.memory_space<vmem>>
    %dma_wait3A_783 = arith.constant 0 : i32
    %dma_wait3A_784 = tpu.memref_slice %arg3[%add3A_140, %dma_wait3A_783] : memref<96x65536xf32, #tpu.memory_space<hbm>> -> memref<1x16384xf32, #tpu.memory_space<hbm>>
    %dma_wait3A_785 = tpu.memref_squeeze %dma_wait3A_784 : memref<1x16384xf32, #tpu.memory_space<hbm>> -> memref<16384xf32, #tpu.memory_space<hbm>>
    %dma_wait3A_786 = tpu.memref_slice %arg6[%dma_wait3A_780] : memref<7x!tpu.dma_semaphore, #tpu.memory_space<semaphore_mem>> -> memref<1x!tpu.dma_semaphore, #tpu.memory_space<semaphore_mem>>
    %dma_wait3A_787 = tpu.memref_squeeze %dma_wait3A_786 : memref<1x!tpu.dma_semaphore, #tpu.memory_space<semaphore_mem>> -> memref<!tpu.dma_semaphore, #tpu.memory_space<semaphore_mem>>
    %dma_wait3A_788 = arith.constant 0 : i32
    %dma_wait3A_789 = tpu.memref_slice %arg3[%add3A_140, %dma_wait3A_788] : memref<96x65536xf32, #tpu.memory_space<hbm>> -> memref<1x16384xf32, #tpu.memory_space<hbm>>
    %dma_wait3A_790 = tpu.memref_squeeze %dma_wait3A_789 : memref<1x16384xf32, #tpu.memory_space<hbm>> -> memref<16384xf32, #tpu.memory_space<hbm>>
    %dma_wait3A_791 = arith.constant 16384 : i32
    %dma_wait3A_792 = tpu.memref_slice %arg4[%dma_wait3A_791] : memref<114688xf32, #tpu.memory_space<vmem>> -> memref<16384xf32, #tpu.memory_space<vmem>>
    tpu.wait_dma2 semaphore(%dma_wait3A_787 : memref<!tpu.dma_semaphore, #tpu.memory_space<semaphore_mem>>) src(%dma_wait3A_792 : memref<16384xf32, #tpu.memory_space<vmem>>) dst(%dma_wait3A_790 : memref<16384xf32, #tpu.memory_space<hbm>>)
    %dma_wait3A_793 = arith.constant 2 : i32
    %dma_wait3A_794 = arith.constant 32768 : i32
    %dma_wait3A_795 = tpu.memref_slice %arg4[%dma_wait3A_794] : memref<114688xf32, #tpu.memory_space<vmem>> -> memref<16384xf32, #tpu.memory_space<vmem>>
    %dma_wait3A_796 = arith.constant 16384 : i32
    %dma_wait3A_797 = tpu.memref_slice %arg3[%add3A_140, %dma_wait3A_796] : memref<96x65536xf32, #tpu.memory_space<hbm>> -> memref<1x16384xf32, #tpu.memory_space<hbm>>
    %dma_wait3A_798 = tpu.memref_squeeze %dma_wait3A_797 : memref<1x16384xf32, #tpu.memory_space<hbm>> -> memref<16384xf32, #tpu.memory_space<hbm>>
    %dma_wait3A_799 = tpu.memref_slice %arg6[%dma_wait3A_793] : memref<7x!tpu.dma_semaphore, #tpu.memory_space<semaphore_mem>> -> memref<1x!tpu.dma_semaphore, #tpu.memory_space<semaphore_mem>>
    %dma_wait3A_800 = tpu.memref_squeeze %dma_wait3A_799 : memref<1x!tpu.dma_semaphore, #tpu.memory_space<semaphore_mem>> -> memref<!tpu.dma_semaphore, #tpu.memory_space<semaphore_mem>>
    %dma_wait3A_801 = arith.constant 16384 : i32
    %dma_wait3A_802 = tpu.memref_slice %arg3[%add3A_140, %dma_wait3A_801] : memref<96x65536xf32, #tpu.memory_space<hbm>> -> memref<1x16384xf32, #tpu.memory_space<hbm>>
    %dma_wait3A_803 = tpu.memref_squeeze %dma_wait3A_802 : memref<1x16384xf32, #tpu.memory_space<hbm>> -> memref<16384xf32, #tpu.memory_space<hbm>>
    %dma_wait3A_804 = arith.constant 32768 : i32
    %dma_wait3A_805 = tpu.memref_slice %arg4[%dma_wait3A_804] : memref<114688xf32, #tpu.memory_space<vmem>> -> memref<16384xf32, #tpu.memory_space<vmem>>
    tpu.wait_dma2 semaphore(%dma_wait3A_800 : memref<!tpu.dma_semaphore, #tpu.memory_space<semaphore_mem>>) src(%dma_wait3A_805 : memref<16384xf32, #tpu.memory_space<vmem>>) dst(%dma_wait3A_803 : memref<16384xf32, #tpu.memory_space<hbm>>)
    %dma_wait3A_806 = arith.constant 3 : i32
    %dma_wait3A_807 = arith.constant 49152 : i32
    %dma_wait3A_808 = tpu.memref_slice %arg4[%dma_wait3A_807] : memref<114688xf32, #tpu.memory_space<vmem>> -> memref<16384xf32, #tpu.memory_space<vmem>>
    %dma_wait3A_809 = arith.constant 32768 : i32
    %dma_wait3A_810 = tpu.memref_slice %arg3[%add3A_140, %dma_wait3A_809] : memref<96x65536xf32, #tpu.memory_space<hbm>> -> memref<1x16384xf32, #tpu.memory_space<hbm>>
    %dma_wait3A_811 = tpu.memref_squeeze %dma_wait3A_810 : memref<1x16384xf32, #tpu.memory_space<hbm>> -> memref<16384xf32, #tpu.memory_space<hbm>>
    %dma_wait3A_812 = tpu.memref_slice %arg6[%dma_wait3A_806] : memref<7x!tpu.dma_semaphore, #tpu.memory_space<semaphore_mem>> -> memref<1x!tpu.dma_semaphore, #tpu.memory_space<semaphore_mem>>
    %dma_wait3A_813 = tpu.memref_squeeze %dma_wait3A_812 : memref<1x!tpu.dma_semaphore, #tpu.memory_space<semaphore_mem>> -> memref<!tpu.dma_semaphore, #tpu.memory_space<semaphore_mem>>
    %dma_wait3A_814 = arith.constant 32768 : i32
    %dma_wait3A_815 = tpu.memref_slice %arg3[%add3A_140, %dma_wait3A_814] : memref<96x65536xf32, #tpu.memory_space<hbm>> -> memref<1x16384xf32, #tpu.memory_space<hbm>>
    %dma_wait3A_816 = tpu.memref_squeeze %dma_wait3A_815 : memref<1x16384xf32, #tpu.memory_space<hbm>> -> memref<16384xf32, #tpu.memory_space<hbm>>
    %dma_wait3A_817 = arith.constant 49152 : i32
    %dma_wait3A_818 = tpu.memref_slice %arg4[%dma_wait3A_817] : memref<114688xf32, #tpu.memory_space<vmem>> -> memref<16384xf32, #tpu.memory_space<vmem>>
    tpu.wait_dma2 semaphore(%dma_wait3A_813 : memref<!tpu.dma_semaphore, #tpu.memory_space<semaphore_mem>>) src(%dma_wait3A_818 : memref<16384xf32, #tpu.memory_space<vmem>>) dst(%dma_wait3A_816 : memref<16384xf32, #tpu.memory_space<hbm>>)
    %dma_wait3A_819 = arith.constant 4 : i32
    %dma_wait3A_820 = arith.constant 65536 : i32
    %dma_wait3A_821 = tpu.memref_slice %arg4[%dma_wait3A_820] : memref<114688xf32, #tpu.memory_space<vmem>> -> memref<16384xf32, #tpu.memory_space<vmem>>
    %dma_wait3A_822 = arith.constant 49152 : i32
    %dma_wait3A_823 = tpu.memref_slice %arg3[%add3A_140, %dma_wait3A_822] : memref<96x65536xf32, #tpu.memory_space<hbm>> -> memref<1x16384xf32, #tpu.memory_space<hbm>>
    %dma_wait3A_824 = tpu.memref_squeeze %dma_wait3A_823 : memref<1x16384xf32, #tpu.memory_space<hbm>> -> memref<16384xf32, #tpu.memory_space<hbm>>
    %dma_wait3A_825 = tpu.memref_slice %arg6[%dma_wait3A_819] : memref<7x!tpu.dma_semaphore, #tpu.memory_space<semaphore_mem>> -> memref<1x!tpu.dma_semaphore, #tpu.memory_space<semaphore_mem>>
    %dma_wait3A_826 = tpu.memref_squeeze %dma_wait3A_825 : memref<1x!tpu.dma_semaphore, #tpu.memory_space<semaphore_mem>> -> memref<!tpu.dma_semaphore, #tpu.memory_space<semaphore_mem>>
    %dma_wait3A_827 = arith.constant 49152 : i32
    %dma_wait3A_828 = tpu.memref_slice %arg3[%add3A_140, %dma_wait3A_827] : memref<96x65536xf32, #tpu.memory_space<hbm>> -> memref<1x16384xf32, #tpu.memory_space<hbm>>
    %dma_wait3A_829 = tpu.memref_squeeze %dma_wait3A_828 : memref<1x16384xf32, #tpu.memory_space<hbm>> -> memref<16384xf32, #tpu.memory_space<hbm>>
    %dma_wait3A_830 = arith.constant 65536 : i32
    %dma_wait3A_831 = tpu.memref_slice %arg4[%dma_wait3A_830] : memref<114688xf32, #tpu.memory_space<vmem>> -> memref<16384xf32, #tpu.memory_space<vmem>>
    tpu.wait_dma2 semaphore(%dma_wait3A_826 : memref<!tpu.dma_semaphore, #tpu.memory_space<semaphore_mem>>) src(%dma_wait3A_831 : memref<16384xf32, #tpu.memory_space<vmem>>) dst(%dma_wait3A_829 : memref<16384xf32, #tpu.memory_space<hbm>>)
    return
  }
}

</mosaic_0001>

<sc_bundles>
// kernel: kernel.3.cloned.1.call-start
scs
__scs_entry_jumppad:
0x0: {  	(pc) =	sbr.rel $0x88, $3  }
0x1: {  	(tag) =	ssettag $0x0;
	lr =	simm.s32 $0x1  }
0x2: {  	[smem:$0x3FA0] =	sst lr;
	_ =	strace $0xD0000000  }
0x3: {  	_ = 	snop  }
0x4: {  	_ = 	snop  }
0x5: {  	_ = 	snop  }
0x6: {  	_ = 	snop  }
0x7: {  	_ = 	snop  }
__scs_overlays_trampoline_lowered:
0x8: {  	[smem:$0x3FAF] =	sst s0  }
0x9: {  	[smem:$0x3FB0] =	sst s1  }
0xa: {  	[smem:$0x3FB1] =	sst s2  }
0xb: {  	[smem:$0x3FB2] =	sst s3  }
0xc: {  	[smem:$0x3FB3] =	sst s4  }
0xd: {  	[smem:$0x3FB4] =	sst s5  }
0xe: {  	[smem:$0x3FB5] =	sst s6  }
0xf: {  	[smem:$0x3FB6] =	sst s7  }
0x10: {  	[smem:$0x3FB7] =	sst s8  }
0x11: {  	[smem:$0x3FB8] =	sst s9;
	s0 =	simm.s32 @!p0 $0x0  }
0x12: {  	s1 =	sld [smem:$0x3F9E];
	s0 =	simm.s32 @p0 $0x1  }
0x13: {  	[smem:$0x3FB9] =	sst s0;
	s0 =	simm.s32 @!p1 $0x0  }
0x14: {  	s2 =	sld [smem:$0x3F9D];
	s0 =	simm.s32 @p1 $0x1  }
0x15: {  	[smem:$0x3FBA] =	sst s0;
	s0 =	simm.s32 @!p2 $0x0  }
0x16: {  	s3 =	sld [smem:$0x3FDB];
	s0 =	simm.s32 @p2 $0x1  }
0x17: {  	s4 =	simm.s32 $0x1BF5;
	[smem:$0x3FBC] =	sst s0  }
0x18: {  	s0 =	sld [smem:$0x3F9F];
	_ =	swait.ge [sflag:s4], $0x0  }
0x19: {  	s7 =	sld [smem:$0x3FA0]  }
0x1a: {  	s8 =	sadd.s32 $0xFFFFE003, lr  }
0x1b: {  	s9 =	sadd.s32 $0xFFFFFEF7, lr;
	s5 =	simm.s32 $0xFFFFFFFF;
	p2 =	slt.u32 s8, $0xFFFFF086  }
0x1c: {  	p1 =	slt.u32 s9, $0xF7A;
	s5 =	simm.s32 @!p2 $0x0  }
0x1d: {  	s5 =	simm.s32 @p1 $0x1;
	p0 =	seq.s32 s7, s2  }
0x1e: {  	s7 =	smul.u32 @!p0 $0xF7A, s2;
	p2 =	seq.s32 @!p0 s5, $0x0  }
0x1f: {  	s9 =	smul.u32 $0xF7A, s1;
	s8 =	simm.s32 @!p0 $0x1BF5;
	p2 =	por !p2, p0  }
0x20: {  	[sflag:s8] =	ssyncset.s32 @!p0 $0xFFFFF086;
	s6 =	sadd.s32 @!p0 s3, s7;
	s7 =	simm.s32 @!p0 $0x108  }
0x21: {  	s3 =	sadd.s32 s3, s9;
	s6 =	sadd.s32 @!p0 $0x88, s6;
	s7 =	simm.s32 @p2 $0x1082  }
0x22: {  	[simem:s7], [sflag:s8] =	dma.local @!p0 [hbm:s6], $0xF7A  }
0x23: {  	s9 =	sor.u32 $0xD0000000, s2;
	s6 =	simm.s32 $0x108;
	_ =	swait.ge @!p0 [sflag:s8], $0x0  }
0x24: {  	s3 =	sadd.s32 $0x88, s3;
	s6 =	simm.s32 @!p1 $0x1082;
	[sflag:s4] =	ssyncset.s32 $0xFFFFF086  }
0x25: {  	[simem:s6], [sflag:s4] =	dma.local [hbm:s3], $0xF7A  }
0x26: {  	[smem:$0x3FA0] =	sst s1;
	(tag) =	ssettag s2;
	_ =	strace s9  }
0x27: {  	s1 =	sld [smem:$0x3FB0]  }
0x28: {  	s2 =	sld [smem:$0x3FB1]  }
0x29: {  	s4 =	sld [smem:$0x3FB3]  }
0x2a: {  	p0 =	seq.s32 s5, $0x0;
	s5 =	sld [smem:$0x3FB4]  }
0x2b: {  	s6 =	sld [smem:$0x3FB5]  }
0x2c: {  	s7 =	sld [smem:$0x3FB6]  }
0x2d: {  	s3 =	simm.s32 $0x108;
	s8 =	sld [smem:$0x3FB7]  }
0x2e: {  	s3 =	simm.s32 @!p0 $0x1082;
	s9 =	sld [smem:$0x3FB8]  }
0x2f: {  	lr =	sadd.s32 s0, s3;
	s0 =	sld [smem:$0x3FAF]  }
0x30: {  	s3 =	sld [smem:$0x3FB2]  }
0x31: {  	[smem:$0x3FBB] =	sst s10  }
0x32: {  	s10 =	sld [smem:$0x3FB9];
	_ =	sdelay $0x3  }
0x33: {  	p0 =	seq.s32 s10, $0x1;
	s10 =	sld [smem:$0x3FBB];
	_ =	sdelay $0x3  }
0x34: {  	[smem:$0x3FBB] =	sst s10  }
0x35: {  	s10 =	sld [smem:$0x3FBA];
	_ =	sdelay $0x3  }
0x36: {  	p1 =	seq.s32 s10, $0x1;
	s10 =	sld [smem:$0x3FBB];
	_ =	sdelay $0x3  }
0x37: {  	[smem:$0x3FBB] =	sst s10  }
0x38: {  	s10 =	sld [smem:$0x3FBC]  }
0x39: {  	_ = 	snop;
	(pc) =	sbr.ind lr, $3  }
0x3a: {  	_ = 	snop  }
0x3b: {  	_ = 	snop  }
0x3c: {  	p2 =	seq.s32 s10, $0x1;
	s10 =	sld [smem:$0x3FBB]  }
0x3d: {  	_ =	shalt  }
0x3e: {  	_ =	shalt  }
0x3f: {  	_ =	shalt  }
0x40: {  	_ =	shalt  }
0x41: {  	_ =	shalt  }
0x42: {  	_ =	shalt  }
0x43: {  	_ =	shalt  }
0x44: {  	_ =	shalt  }
0x45: {  	_ =	shalt  }
0x46: {  	_ =	shalt  }
0x47: {  	_ =	shalt  }
0x48: {  	_ =	shalt  }
0x49: {  	_ =	shalt  }
0x4a: {  	_ =	shalt  }
0x4b: {  	_ =	shalt  }
0x4c: {  	_ =	shalt  }
0x4d: {  	_ =	shalt  }
0x4e: {  	_ =	shalt  }
0x4f: {  	_ =	shalt  }
0x50: {  	_ =	shalt  }
0x51: {  	_ =	shalt  }
0x52: {  	_ =	shalt  }
0x53: {  	_ =	shalt  }
0x54: {  	_ =	shalt  }
0x55: {  	_ =	shalt  }
0x56: {  	_ =	shalt  }
0x57: {  	_ =	shalt  }
0x58: {  	_ =	shalt  }
0x59: {  	_ =	shalt  }
0x5a: {  	_ =	shalt  }
0x5b: {  	_ =	shalt  }
0x5c: {  	_ =	shalt  }
0x5d: {  	_ =	shalt  }
0x5e: {  	_ =	shalt  }
0x5f: {  	_ =	shalt  }
0x60: {  	_ =	shalt  }
0x61: {  	_ =	shalt  }
0x62: {  	_ =	shalt  }
0x63: {  	_ =	shalt  }
0x64: {  	_ =	shalt  }
0x65: {  	_ =	shalt  }
0x66: {  	_ =	shalt  }
0x67: {  	_ =	shalt  }
0x68: {  	_ =	shalt  }
0x69: {  	_ =	shalt  }
0x6a: {  	_ =	shalt  }
0x6b: {  	_ =	shalt  }
0x6c: {  	_ =	shalt  }
0x6d: {  	_ =	shalt  }
0x6e: {  	_ =	shalt  }
0x6f: {  	_ =	shalt  }
0x70: {  	_ =	shalt  }
0x71: {  	_ =	shalt  }
0x72: {  	_ =	shalt  }
0x73: {  	_ =	shalt  }
0x74: {  	_ =	shalt  }
0x75: {  	_ =	shalt  }
0x76: {  	_ =	shalt  }
0x77: {  	_ =	shalt  }
0x78: {  	_ =	shalt  }
0x79: {  	_ =	shalt  }
0x7a: {  	_ =	shalt  }
0x7b: {  	_ =	shalt  }
0x7c: {  	_ =	shalt  }
0x7d: {  	_ =	shalt  }
0x7e: {  	_ =	shalt  }
0x7f: {  	_ =	shalt  }
0x80: {  	_ =	shalt  }
0x81: {  	_ =	shalt  }
0x82: {  	_ =	shalt  }
0x83: {  	_ =	shalt  }
0x84: {  	_ =	shalt  }
0x85: {  	_ =	shalt  }
0x86: {  	_ =	shalt  }
0x87: {  	_ =	shalt  }
.Lfunc_end0:
.L_simem_size_0:
called_computation.1_lowered:
.L_overlay_start_0:
0x88: {  	s2 =	sld [smem:$0x3FD9]  }
0x89: {  	s3 =	sld [smem:$0x3FFE];
	_ =	sdelay $0x1  }
0x8a: {  	s1 =	srdreg.scid  }
0x8b: {  	s0 =	sand.u32 $0x1, s1  }
0x8c: {  	s16 =	sshll.u32 s0, $0xA;
	s2 =	sadd.s32 s3, s2  }
0x8d: {  	s2 =	sadd.s32 s2, s16  }
0x8e: {  	[smem:$0x3FC7] =	sst s2  }
0x8f: {  	_ = 	snop  }
0x90: {  	(tm) =	ssettm $0x1  }
0x91: {  	s17 =	sld [smem:$0x3FFB];
	_ =	sdelay $0x3  }
0x92: {  	_ =	strace s17  }
0x93: {  	s2 =	sld [smem:$0x3FFC];
	_ =	sdelay $0x3  }
0x94: {  	_ =	strace s2  }
0x95: {  	s2 =	sld [smem:$0x3FFD];
	_ =	sdelay $0x3  }
0x96: {  	_ =	strace s2  }
0x97: {  	_ =	strace $0x8FFFFFFF  }
0x98: {  	s18 =	sld [smem:$0x3FDB];
	_ =	sdelay $0x1  }
0x99: {  	s19 =	simm.s32 $_scs_section_size  }
0x9a: {  	s4 =	simm.s32 $_size__tile_overlayer_lowered;
	s5 =	simm.s32 $_tile_overlayer_lowered  }
0x9b: {  	s22 =	simm.s32 $0x1BFF;
	s21 =	sshll.u32 s5, $0x1;
	s2 =	sadd.s32 s19, s18  }
0x9c: {  	s6 =	simm.s32 $0x0;
	s20 =	sshll.u32 s4, $0x1;
	s4 =	sadd.s32 s21, s2  }
0x9d: {  	[timem:s6], [sflag:s22] =	dma.local [hbm:s4], s20  }
0x9e: {  	_ =	swait.ge [sflag:s22], s20  }
0x9f: {  	s3 =	ssub.s32 $0x0, s20;
	[sflag:s22] =	ssyncset.done $0x0  }
0xa0: {  	[sflag:s22] =	ssyncadd.s32 s3;
	_ =	sdelay $0x1  }
0xa1: {  	s23 =	simm.s32 $0x1B8B  }
0xa2: {  	_ =	swait.ge [sflag:s23], $0x1  }
0xa3: {  	[sflag:s23] =	ssyncset.done $0x0  }
0xa4: {  	s25 =	simm.s32 $0x1B8E;
	s24 =	sld [smem:$0x3FFE];
	[sflag:s23] =	ssyncadd.s32 $0xFFFFFFFF  }
0xa5: {  	s26 =	simm.s32 $execute0_lowered;
	[smem:$0x3FD2] =	sst s25  }
0xa6: {  	s4 =	sshll.u32 s26, $0x1;
	_ =	strace $0x80000049;
	[dreg:$0x1] =	wrdreg $0xFFFFFFFF  }
0xa7: {  	s28 =	simm.s32 $_size_execute0_lowered;
	s2 =	sadd.s32 s2, s4;
	[dreg:$0x0] =	wrdreg $0x0  }
0xa8: {  	s4 =	sshll.u32 s28, $0x1;
	[dreg:$0x2] =	wrdreg s2  }
0xa9: {  	[dreg:$0x3] =	wrdreg s4  }
0xaa: {  	[dreg:$0x4] =	wrdreg $0xC0  }
0xab: {  	_ =	task [dreg:s6], $0x5FFFF  }
0xac: {  	[dreg:$0x1] =	wrdreg $0xFFFFFFFF  }
0xad: {  	[dreg:$0x0] =	wrdreg $0x60  }
0xae: {  	[dreg:$0x2] =	wrdreg s24  }
0xaf: {  	[dreg:$0x3] =	wrdreg $0x9  }
0xb0: {  	_ =	task.clear_ibuf [dreg:s6], $0x4FFFF;
	_ =	strace $0x90000049  }
0xb1: {  	s29 =	simm.s32 $0x9;
	_ =	strace $0x8000004B  }
0xb2: {  	_ =	swait.ge [sflag:s29], $0x1  }
0xb3: {  	[sflag:s29] =	ssyncadd.s32 $0xFFFFFFFF  }
0xb4: {  	_ =	strace $0x9000004B  }
0xb5: {  	_ =	sfence  }
0xb6: {  	s30 =	sld [smem:$0x0];
	_ =	sdelay $0x2  }
0xb7: {  	s31 =	sshll.u32 s1, $0xD;
	s1 =	sshrl.u32 s1, $0x2  }
0xb8: {  	s3 =	sand.u32 $0x4000, s31;
	s1 =	sadd.s32 s1, s30  }
0xb9: {  	s0 =	sor.u32 s3, s0;
	s1 =	sshll.u32 s1, $0x11  }
0xba: {  	s0 =	sor.u32 s1, s0  }
0xbb: {  	s0 =	sadd.s32 $0x8F2B, s0  }
0xbc: {  	[sflag:s0] =	ssyncadd.remote.s32 $0x1  }
0xbd: {  	_ =	sfence.sel $0xFFFF  }
0xbe: {  	[dreg:$0x0] =	wrdreg $0xFFFFFFFF;
	(pc) =	sbr.abs _section_cstart, $3  }
0xbf: {  	[dreg:$0x1] =	wrdreg $0xFFFFFFFF  }
0xc0: {  	_ =	task.clear_ibuf [dreg:s6], $0x2FFFF;
	_ =	strace $0x9FFFFFFF  }
0xc1: {  	(tm) =	ssettm $0x7FFFFFFF  }
tec
execute0_lowered:
.L_overlay_start_1:
0x0: {  	(tag) =	ssettag $0x1  }
0x1: {  	s0 =	srdreg.scid;
	s2 =	stileid.u32  }
0x2: {  	s1 =	sand.u32 $0x1, s0;
	s11 =	sshll.u32 s2, $0x1  }
0x3: {  	s0 =	sor.u32 s1, s11  }
0x4: {  	s3 =	rddreg [dreg:$0x0];
	s29 =	simm.s32 $0x14000;
	s4 =	smul.u32 $0x3, s0  }
0x5: {  	s28 =	simm.s32 $0x18000;
	p0 =	por $0x0, $0x0;
	s6 =	smul.u32 $0xC0000, s0  }
0x6: {  	s31 =	simm.s32 $0x6;
	s30 =	simm.s32 $0x7;
	s17 =	smul.u32 $0x30000, s0  }
0x7: {  	s2 =	simm.s32 $0x0;
	s8 =	sadd.s32 $0x800, s3;
	s0 =	smul.u32 $0x180, s0  }
0x8: {  	s10 =	sadd.s32 $0x4800, s3;
	s25 =	sadd.s32 $0x308800, s3;
	s12 =	sand.u32 $0x1F, s4  }
0x9: {  	[smem:$0x7FF] =	sst s2;
	s0 =	sor.u32 s0, s17;
	s5 =	smul.u32 $0x831FB, s12  }
0xa: {  	s1 =	ssub.s32 $0x2, s1;
	_ =	strace $0x8000004A;
	s0 =	sand.u32 $0x780380, s0  }
0xb: {  	s6 =	sand.u32 $0x1800000, s6;
	s0 =	sshrl.u32 s0, $0x3;
	s7 =	sshrl.u32 s5, $0x1  }
0xc: {  	s13 =	sshrl.u32 s5, $0xA;
	s5 =	sadd.s32 $0x1, s4;
	s4 =	sadd.s32 $0x2, s4  }
0xd: {  	s26 =	sadd.s32 s0, s25;
	s7 =	sand.u32 $0x780000, s7;
	s14 =	sand.u32 $0x1F, s5  }
0xe: {  	s11 =	sand.u32 $0x1F, s4;
	s16 =	sshll.u32 s5, $0xF;
	s6 =	sor.u32 s6, s7  }
0xf: {  	s21 =	sshll.u32 s4, $0xF;
	[dreg:$0xd] =	wrdreg s26;
	s6 =	sor.u32 s13, s6  }
0x10: {  	s26 =	simm.s32 $0x1;
	s7 =	smul.u32 $0x831FB, s14;
	s6 =	sand.u32 $0x1F80380, s6  }
0x11: {  	s11 =	smul.u32 $0x831FB, s11;
	s13 =	sadd.s32 $0x8800, s3;
	s6 =	sshrl.u32 s6, $0x3  }
0x12: {  	s12 =	sshrl.u32 s7, $0x4;
	s7 =	sshrl.u32 s7, $0xD;
	s9 =	sadd.s32 s8, s6  }
0x13: {  	s22 =	sshrl.u32 s11, $0x4;
	s15 =	sadd.s32 s6, s10;
	[dreg:$0x2] =	wrdreg s9  }
0x14: {  	s11 =	sshrl.u32 s11, $0xD;
	s14 =	sadd.s32 s6, s13;
	[dreg:$0x3] =	wrdreg s15  }
0x15: {  	s12 =	sand.u32 $0xF0000, s12;
	s9 =	sand.u32 $0x700000, s16;
	[dreg:$0x4] =	wrdreg s14  }
0x16: {  	s14 =	sand.u32 $0xF0000, s22;
	s9 =	sor.u32 s9, s12;
	s12 =	sadd.s32 $0xC800, s3  }
0x17: {  	s7 =	sor.u32 s7, s9;
	s6 =	sadd.s32 s6, s12;
	s9 =	sadd.s32 $0x300800, s3  }
0x18: {  	s7 =	sand.u32 $0x7F0070, s7;
	[dreg:$0x5] =	wrdreg s6;
	s15 =	sadd.s32 s9, s0  }
0x19: {  	s6 =	sand.u32 $0x700000, s21;
	s18 =	sadd.s32 s8, s7;
	s19 =	sadd.s32 s7, s10  }
0x1a: {  	s20 =	sadd.s32 s7, s13;
	[dreg:$0x9] =	wrdreg s15;
	s6 =	sor.u32 s6, s14  }
0x1b: {  	s7 =	sadd.s32 s7, s12;
	s15 =	sadd.s32 $0x304800, s3;
	[dreg:$0x6] =	wrdreg s18  }
0x1c: {  	s3 =	sadd.s32 $0x30C800, s3;
	s14 =	sshll.u32 s5, $0xD;
	[dreg:$0x7] =	wrdreg s19  }
0x1d: {  	s5 =	sshll.u32 s5, $0x4;
	[dreg:$0x8] =	wrdreg s20;
	s6 =	sor.u32 s11, s6  }
0x1e: {  	[dreg:$0xa] =	wrdreg s7;
	s23 =	sadd.s32 s0, s15;
	s0 =	sadd.s32 s0, s3  }
0x1f: {  	s5 =	sor.u32 s5, s14;
	s18 =	sshrl.u32 s1, $0x1;
	s20 =	sshll.u32 s4, $0xD  }
0x20: {  	s4 =	sshll.u32 s4, $0x4;
	s7 =	simm.s32 $0xC;
	[dreg:$0xb] =	wrdreg s23  }
0x21: {  	s6 =	sand.u32 $0x7F0070, s6;
	[dreg:$0xf] =	wrdreg s0;
	s5 =	sand.u32 $0xFFF0070, s5  }
0x22: {  	s4 =	sor.u32 s4, s20;
	s1 =	ssub.s32 s1, s18;
	s20 =	simm.s32 $0xE  }
0x23: {  	s0 =	rddreg [dreg:$0x2];
	s24 =	sadd.s32 s8, s6;
	s11 =	sadd.s32 s6, s10  }
0x24: {  	s16 =	sadd.s32 s6, s13;
	s17 =	sadd.s32 s9, s5;
	[dreg:$0xc] =	wrdreg s24  }
0x25: {  	s19 =	sadd.s32 s6, s12;
	s21 =	sadd.s32 s5, s15;
	[dreg:$0xe] =	wrdreg s11  }
0x26: {  	s22 =	sand.u32 $0xFFF0070, s4;
	s18 =	sadd.s32 s5, s25;
	[dreg:$0x10] =	wrdreg s16  }
0x27: {  	s23 =	smax.u32 s1, $0x1;
	s8 =	simm.s32 $0x80;
	[dreg:$0x11] =	wrdreg s17  }
0x28: {  	s13 =	simm.s32 $0x10000;
	s6 =	simm.s32 $0x9;
	[dreg:$0x12] =	wrdreg s19  }
0x29: {  	[dreg:$0x13] =	wrdreg s21;
	s16 =	sadd.s32 s5, s3;
	s14 =	sadd.s32 s9, s22  }
0x2a: {  	s12 =	sadd.s32 s22, s15;
	s10 =	sadd.s32 s22, s25;
	p1 =	sne.s32 s23, $0x1  }
.Ltmp0:
0x2b: {  	s4 =	sadd.s32 s22, s3;
	s11 =	simm.s32 $0x400;
	(pc) =	sbr.rel @!p1 .LBB2_3-.Ltmp0, $4  }
0x2c: {  	s19 =	simm.s32 $0x4000;
	s17 =	simm.s32 $0x8000;
	s15 =	simm.s32 $0xC000  }
0x2d: {  	s9 =	simm.s32 $0x8;
	s25 =	simm.s32 $0x2;
	s24 =	simm.s32 $0x3  }
0x2e: {  	s5 =	simm.s32 $0xA;
	s21 =	simm.s32 $0x4;
	s3 =	simm.s32 $0xB  }
0x2f: {  	s1 =	sadd.s32 $0xFFFFFFFF, s23;
	s22 =	simm.s32 $0x5;
	s23 =	simm.s32 $0xD  }
0x30: {  	[dreg:$0x14] =	wrdreg s1  }
0x31: {  	[tilespmem:s2], [sflag:$0x1] =	stream.strided.gather [hbm4b:s0+s8], $0x4000, s11, s8, $0x38;
	[tilespmem:$0x1C000] =	vst v63  }
0x32: {  	s1 =	rddreg [dreg:$0x3]  }
0x33: {  	[tilespmem:s19], [sflag:$0x2] =	stream.strided.gather [hbm4b:s1+s8], $0x4000, s11, s8, $0x38;
	[tilespmem:$0x1C000] =	vst v63  }
0x34: {  	s0 =	rddreg [dreg:$0x4]  }
0x35: {  	[tilespmem:s17], [sflag:$0x3] =	stream.strided.gather [hbm4b:s0+s8], $0x4000, s11, s8, $0x38;
	[tilespmem:$0x1C000] =	vst v63  }
0x36: {  	s1 =	rddreg [dreg:$0x5]  }
0x37: {  	[tilespmem:s15], [sflag:$0x4] =	stream.strided.gather [hbm4b:s1+s8], $0x4000, s11, s8, $0x38;
	[tilespmem:$0x1C000] =	vst v63  }
0x38: {  	s0 =	rddreg [dreg:$0x6]  }
0x39: {  	[tilespmem:s13], [sflag:$0x5] =	stream.strided.gather [hbm4b:s0+s8], $0x4000, s11, s8, $0x38;
	[tilespmem:$0x1C000] =	vst v63  }
0x3a: {  	s1 =	rddreg [dreg:$0x7]  }
0x3b: {  	[tilespmem:s29], [sflag:$0x6] =	stream.strided.gather [hbm4b:s1+s8], $0x4000, s11, s8, $0x38;
	[tilespmem:$0x1C000] =	vst v63  }
0x3c: {  	s0 =	rddreg [dreg:$0x8]  }
0x3d: {  	[tilespmem:s28], [sflag:$0x7] =	stream.strided.gather [hbm4b:s0+s8], $0x4000, s11, s8, $0x38;
	[tilespmem:$0x1C000] =	vst v63  }
0x3e: {  	_ =	swait.ge [sflag:s26], $0x4000  }
0x3f: {  	[sflag:s26] =	ssyncset.done $0x0  }
0x40: {  	s1 =	rddreg [dreg:$0x9];
	[sflag:s26] =	ssyncadd.s32 $0xFFFFC000  }
0x41: {  	[hbm4b:s1+s8] =	stream.strided.scatter [tilespmem:s2], [sflag:$0x8], $0x4000, s11, s8, $0x38;
	[tilespmem:$0x1C000] =	vst v63  }
0x42: {  	_ =	swait.ge [sflag:s9], $0x4000  }
0x43: {  	[sflag:s9] =	ssyncset.done $0x0  }
0x44: {  	s1 =	rddreg [dreg:$0xa];
	[sflag:s9] =	ssyncadd.s32 $0xFFFFC000  }
0x45: {  	[tilespmem:s2], [sflag:$0x1] =	stream.strided.gather [hbm4b:s1+s8], $0x4000, s11, s8, $0x38;
	[tilespmem:$0x1C000] =	vst v63  }
0x46: {  	_ =	swait.ge [sflag:s25], $0x4000  }
0x47: {  	[sflag:s25] =	ssyncset.done $0x0  }
0x48: {  	s1 =	rddreg [dreg:$0xb];
	[sflag:s25] =	ssyncadd.s32 $0xFFFFC000  }
0x49: {  	[hbm4b:s1+s8] =	stream.strided.scatter [tilespmem:s19], [sflag:$0x9], $0x4000, s11, s8, $0x38;
	[tilespmem:$0x1C000] =	vst v63  }
0x4a: {  	_ =	swait.ge [sflag:s6], $0x4000  }
0x4b: {  	[sflag:s6] =	ssyncset.done $0x0  }
0x4c: {  	s1 =	rddreg [dreg:$0xc];
	[sflag:s6] =	ssyncadd.s32 $0xFFFFC000  }
0x4d: {  	[tilespmem:s19], [sflag:$0x2] =	stream.strided.gather [hbm4b:s1+s8], $0x4000, s11, s8, $0x38;
	[tilespmem:$0x1C000] =	vst v63  }
0x4e: {  	_ =	swait.ge [sflag:s24], $0x4000  }
0x4f: {  	[sflag:s24] =	ssyncset.done $0x0  }
0x50: {  	s1 =	rddreg [dreg:$0xd];
	[sflag:s24] =	ssyncadd.s32 $0xFFFFC000  }
0x51: {  	[hbm4b:s1+s8] =	stream.strided.scatter [tilespmem:s17], [sflag:$0xA], $0x4000, s11, s8, $0x38;
	[tilespmem:$0x1C000] =	vst v63  }
0x52: {  	_ =	swait.ge [sflag:s5], $0x4000  }
0x53: {  	[sflag:s5] =	ssyncset.done $0x0  }
0x54: {  	s1 =	rddreg [dreg:$0xe];
	[sflag:s5] =	ssyncadd.s32 $0xFFFFC000  }
0x55: {  	[tilespmem:s17], [sflag:$0x3] =	stream.strided.gather [hbm4b:s1+s8], $0x4000, s11, s8, $0x38;
	[tilespmem:$0x1C000] =	vst v63  }
0x56: {  	_ =	swait.ge [sflag:s21], $0x4000  }
0x57: {  	[sflag:s21] =	ssyncset.done $0x0  }
0x58: {  	s1 =	rddreg [dreg:$0xf];
	[sflag:s21] =	ssyncadd.s32 $0xFFFFC000  }
0x59: {  	[hbm4b:s1+s8] =	stream.strided.scatter [tilespmem:s15], [sflag:$0xB], $0x4000, s11, s8, $0x38;
	[tilespmem:$0x1C000] =	vst v63  }
0x5a: {  	_ =	swait.ge [sflag:s3], $0x4000  }
0x5b: {  	[sflag:s3] =	ssyncset.done $0x0  }
0x5c: {  	s1 =	rddreg [dreg:$0x10];
	[sflag:s3] =	ssyncadd.s32 $0xFFFFC000  }
0x5d: {  	[tilespmem:s15], [sflag:$0x4] =	stream.strided.gather [hbm4b:s1+s8], $0x4000, s11, s8, $0x38;
	[tilespmem:$0x1C000] =	vst v63  }
0x5e: {  	_ =	swait.ge [sflag:s22], $0x4000  }
0x5f: {  	[sflag:s22] =	ssyncset.done $0x0  }
0x60: {  	s1 =	rddreg [dreg:$0x11];
	[sflag:s22] =	ssyncadd.s32 $0xFFFFC000  }
0x61: {  	[hbm4b:s1+s8] =	stream.strided.scatter [tilespmem:s13], [sflag:$0xC], $0x4000, s11, s8, $0x38;
	[tilespmem:$0x1C000] =	vst v63  }
0x62: {  	_ =	swait.ge [sflag:s7], $0x4000  }
0x63: {  	[sflag:s7] =	ssyncset.done $0x0  }
0x64: {  	s1 =	rddreg [dreg:$0x12];
	[sflag:s7] =	ssyncadd.s32 $0xFFFFC000  }
0x65: {  	[tilespmem:s13], [sflag:$0x5] =	stream.strided.gather [hbm4b:s1+s8], $0x4000, s11, s8, $0x38;
	[tilespmem:$0x1C000] =	vst v63  }
0x66: {  	_ =	swait.ge [sflag:s31], $0x4000  }
0x67: {  	[sflag:s31] =	ssyncset.done $0x0  }
0x68: {  	s1 =	rddreg [dreg:$0x13];
	[sflag:s31] =	ssyncadd.s32 $0xFFFFC000  }
0x69: {  	[hbm4b:s1+s8] =	stream.strided.scatter [tilespmem:s29], [sflag:$0xD], $0x4000, s11, s8, $0x38;
	[tilespmem:$0x1C000] =	vst v63  }
0x6a: {  	_ =	swait.ge [sflag:s30], $0x4000  }
0x6b: {  	[sflag:s30] =	ssyncset.done $0x0  }
0x6c: {  	[sflag:s30] =	ssyncadd.s32 $0xFFFFC000  }
0x6d: {  	[hbm4b:s18+s8] =	stream.strided.scatter [tilespmem:s28], [sflag:$0xE], $0x4000, s11, s8, $0x38;
	[tilespmem:$0x1C000] =	vst v63  }
0x6e: {  	_ =	swait.ge [sflag:s26], $0x4000  }
0x6f: {  	[sflag:s26] =	ssyncset.done $0x0  }
0x70: {  	[sflag:s26] =	ssyncadd.s32 $0xFFFFC000  }
0x71: {  	[hbm4b:s16+s8] =	stream.strided.scatter [tilespmem:s2], [sflag:$0x8], $0x4000, s11, s8, $0x38;
	[tilespmem:$0x1C000] =	vst v63  }
0x72: {  	_ =	swait.ge [sflag:s25], $0x4000  }
0x73: {  	[sflag:s25] =	ssyncset.done $0x0  }
0x74: {  	[sflag:s25] =	ssyncadd.s32 $0xFFFFC000  }
0x75: {  	[hbm4b:s14+s8] =	stream.strided.scatter [tilespmem:s19], [sflag:$0x9], $0x4000, s11, s8, $0x38;
	[tilespmem:$0x1C000] =	vst v63  }
0x76: {  	_ =	swait.ge [sflag:s24], $0x4000  }
0x77: {  	[sflag:s24] =	ssyncset.done $0x0  }
0x78: {  	[sflag:s24] =	ssyncadd.s32 $0xFFFFC000  }
0x79: {  	[hbm4b:s12+s8] =	stream.strided.scatter [tilespmem:s17], [sflag:$0xA], $0x4000, s11, s8, $0x38;
	[tilespmem:$0x1C000] =	vst v63  }
0x7a: {  	_ =	swait.ge [sflag:s21], $0x4000  }
0x7b: {  	[sflag:s21] =	ssyncset.done $0x0  }
0x7c: {  	[sflag:s21] =	ssyncadd.s32 $0xFFFFC000  }
0x7d: {  	[hbm4b:s10+s8] =	stream.strided.scatter [tilespmem:s15], [sflag:$0xB], $0x4000, s11, s8, $0x38;
	[tilespmem:$0x1C000] =	vst v63  }
0x7e: {  	_ =	swait.ge [sflag:s22], $0x4000  }
0x7f: {  	[sflag:s22] =	ssyncset.done $0x0  }
0x80: {  	[sflag:s22] =	ssyncadd.s32 $0xFFFFC000  }
0x81: {  	[hbm4b:s4+s8] =	stream.strided.scatter [tilespmem:s13], [sflag:$0xC], $0x4000, s11, s8, $0x38;
	[tilespmem:$0x1C000] =	vst v63  }
0x82: {  	_ =	swait.ge [sflag:s23], $0x4000  }
0x83: {  	[sflag:s23] =	ssyncset.done $0x0  }
0x84: {  	[sflag:s23] =	ssyncadd.s32 $0xFFFFC000  }
0x85: {  	_ =	swait.ge [sflag:s20], $0x4000  }
0x86: {  	[sflag:s20] =	ssyncset.done $0x0  }
0x87: {  	[sflag:s20] =	ssyncadd.s32 $0xFFFFC000  }
0x88: {  	_ =	swait.ge [sflag:s9], $0x4000  }
0x89: {  	[sflag:s9] =	ssyncset.done $0x0  }
0x8a: {  	[sflag:s9] =	ssyncadd.s32 $0xFFFFC000  }
0x8b: {  	_ =	swait.ge [sflag:s6], $0x4000  }
0x8c: {  	[sflag:s6] =	ssyncset.done $0x0  }
0x8d: {  	[sflag:s6] =	ssyncadd.s32 $0xFFFFC000  }
0x8e: {  	_ =	swait.ge [sflag:s5], $0x4000  }
0x8f: {  	[sflag:s5] =	ssyncset.done $0x0  }
0x90: {  	[sflag:s5] =	ssyncadd.s32 $0xFFFFC000  }
0x91: {  	_ =	swait.ge [sflag:s3], $0x4000  }
0x92: {  	s1 =	rddreg [dreg:$0x14]  }
0x93: {  	p1 =	sne.s32 s1, $0x1  }
.Ltmp1:
0x94: {  	_ = 	snop;
	(pc) =	sbr.rel @!p1 .LBB2_3-.Ltmp1, $4  }
0x95: {  	[sflag:s3] =	ssyncset.done $0x0  }
0x96: {  	[sflag:s3] =	ssyncadd.s32 $0xFFFFC000  }
0x97: {  	p0 =	por $0x1, $0x1;
	_ =	swait.ge [sflag:s7], $0x4000  }
0x98: {  	s1 =	sadd.s32 $0xFFFFFFFF, s1;
	s0 =	rddreg [dreg:$0x2];
	[sflag:s7] =	ssyncset.done $0x0  }
.LBB2_2:
0x99: {  	[sflag:s7] =	ssyncadd.s32 $0xFFFFC000;
	s28 =	smov.u32 s18  }
0x9a: {  	s18 =	smov.u32 s16;
	s16 =	smov.u32 s14;
	s14 =	smov.u32 s12  }
0x9b: {  	[tilespmem:s2], [sflag:$0x1] =	stream.strided.gather [hbm4b:s0+s8], $0x4000, s11, s8, $0x38;
	[tilespmem:$0x1C000] =	vst v63  }
0x9c: {  	s12 =	smov.u32 s10;
	s10 =	smov.u32 s4;
	s4 =	rddreg [dreg:$0x3]  }
0x9d: {  	[tilespmem:s19], [sflag:$0x2] =	stream.strided.gather [hbm4b:s4+s8], $0x4000, s11, s8, $0x38;
	[tilespmem:$0x1C000] =	vst v63  }
0x9e: {  	s0 =	rddreg [dreg:$0x4]  }
0x9f: {  	[tilespmem:s17], [sflag:$0x3] =	stream.strided.gather [hbm4b:s0+s8], $0x4000, s11, s8, $0x38;
	[tilespmem:$0x1C000] =	vst v63  }
0xa0: {  	s4 =	rddreg [dreg:$0x5]  }
0xa1: {  	[tilespmem:s15], [sflag:$0x4] =	stream.strided.gather [hbm4b:s4+s8], $0x4000, s11, s8, $0x38;
	[tilespmem:$0x1C000] =	vst v63  }
0xa2: {  	s0 =	rddreg [dreg:$0x6]  }
0xa3: {  	[tilespmem:s13], [sflag:$0x5] =	stream.strided.gather [hbm4b:s0+s8], $0x4000, s11, s8, $0x38;
	[tilespmem:$0x1C000] =	vst v63  }
0xa4: {  	s4 =	rddreg [dreg:$0x7]  }
0xa5: {  	[tilespmem:s29], [sflag:$0x6] =	stream.strided.gather [hbm4b:s4+s8], $0x4000, s11, s8, $0x38;
	[tilespmem:$0x1C000] =	vst v63  }
0xa6: {  	s0 =	rddreg [dreg:$0x8];
	s4 =	smov.u32 s10  }
0xa7: {  	s10 =	smov.u32 s12;
	s12 =	smov.u32 s14;
	s14 =	smov.u32 s16  }
0xa8: {  	s16 =	smov.u32 s18;
	s18 =	smov.u32 s28;
	s28 =	simm.s32 $0x18000  }
0xa9: {  	[tilespmem:s28], [sflag:$0x7] =	stream.strided.gather [hbm4b:s0+s8], $0x4000, s11, s8, $0x38;
	[tilespmem:$0x1C000] =	vst v63  }
0xaa: {  	_ =	swait.ge [sflag:s26], $0x4000  }
0xab: {  	[sflag:s26] =	ssyncset.done $0x0  }
0xac: {  	s0 =	rddreg [dreg:$0x9];
	[sflag:s26] =	ssyncadd.s32 $0xFFFFC000  }
0xad: {  	[hbm4b:s0+s8] =	stream.strided.scatter [tilespmem:s2], [sflag:$0x8], $0x4000, s11, s8, $0x38;
	[tilespmem:$0x1C000] =	vst v63  }
0xae: {  	_ =	swait.ge [sflag:s9], $0x4000  }
0xaf: {  	[sflag:s9] =	ssyncset.done $0x0  }
0xb0: {  	s0 =	rddreg [dreg:$0xa];
	[sflag:s9] =	ssyncadd.s32 $0xFFFFC000  }
0xb1: {  	[tilespmem:s2], [sflag:$0x1] =	stream.strided.gather [hbm4b:s0+s8], $0x4000, s11, s8, $0x38;
	[tilespmem:$0x1C000] =	vst v63  }
0xb2: {  	_ =	swait.ge [sflag:s25], $0x4000  }
0xb3: {  	[sflag:s25] =	ssyncset.done $0x0  }
0xb4: {  	s0 =	rddreg [dreg:$0xb];
	[sflag:s25] =	ssyncadd.s32 $0xFFFFC000  }
0xb5: {  	[hbm4b:s0+s8] =	stream.strided.scatter [tilespmem:s19], [sflag:$0x9], $0x4000, s11, s8, $0x38;
	[tilespmem:$0x1C000] =	vst v63  }
0xb6: {  	_ =	swait.ge [sflag:s6], $0x4000  }
0xb7: {  	[sflag:s6] =	ssyncset.done $0x0  }
0xb8: {  	s0 =	rddreg [dreg:$0xc];
	[sflag:s6] =	ssyncadd.s32 $0xFFFFC000  }
0xb9: {  	[tilespmem:s19], [sflag:$0x2] =	stream.strided.gather [hbm4b:s0+s8], $0x4000, s11, s8, $0x38;
	[tilespmem:$0x1C000] =	vst v63  }
0xba: {  	_ =	swait.ge [sflag:s24], $0x4000  }
0xbb: {  	[sflag:s24] =	ssyncset.done $0x0  }
0xbc: {  	s0 =	rddreg [dreg:$0xd];
	[sflag:s24] =	ssyncadd.s32 $0xFFFFC000  }
0xbd: {  	[hbm4b:s0+s8] =	stream.strided.scatter [tilespmem:s17], [sflag:$0xA], $0x4000, s11, s8, $0x38;
	[tilespmem:$0x1C000] =	vst v63  }
0xbe: {  	_ =	swait.ge [sflag:s5], $0x4000  }
0xbf: {  	[sflag:s5] =	ssyncset.done $0x0  }
0xc0: {  	s0 =	rddreg [dreg:$0xe];
	[sflag:s5] =	ssyncadd.s32 $0xFFFFC000  }
0xc1: {  	[tilespmem:s17], [sflag:$0x3] =	stream.strided.gather [hbm4b:s0+s8], $0x4000, s11, s8, $0x38;
	[tilespmem:$0x1C000] =	vst v63  }
0xc2: {  	_ =	swait.ge [sflag:s21], $0x4000  }
0xc3: {  	[sflag:s21] =	ssyncset.done $0x0  }
0xc4: {  	s0 =	rddreg [dreg:$0xf];
	[sflag:s21] =	ssyncadd.s32 $0xFFFFC000  }
0xc5: {  	[hbm4b:s0+s8] =	stream.strided.scatter [tilespmem:s15], [sflag:$0xB], $0x4000, s11, s8, $0x38;
	[tilespmem:$0x1C000] =	vst v63  }
0xc6: {  	_ =	swait.ge [sflag:s3], $0x4000  }
0xc7: {  	[sflag:s3] =	ssyncset.done $0x0  }
0xc8: {  	s0 =	rddreg [dreg:$0x10];
	[sflag:s3] =	ssyncadd.s32 $0xFFFFC000  }
0xc9: {  	[tilespmem:s15], [sflag:$0x4] =	stream.strided.gather [hbm4b:s0+s8], $0x4000, s11, s8, $0x38;
	[tilespmem:$0x1C000] =	vst v63  }
0xca: {  	_ =	swait.ge [sflag:s22], $0x4000  }
0xcb: {  	[sflag:s22] =	ssyncset.done $0x0  }
0xcc: {  	s0 =	rddreg [dreg:$0x11];
	[sflag:s22] =	ssyncadd.s32 $0xFFFFC000  }
0xcd: {  	[hbm4b:s0+s8] =	stream.strided.scatter [tilespmem:s13], [sflag:$0xC], $0x4000, s11, s8, $0x38;
	[tilespmem:$0x1C000] =	vst v63  }
0xce: {  	_ =	swait.ge [sflag:s7], $0x4000  }
0xcf: {  	[sflag:s7] =	ssyncset.done $0x0  }
0xd0: {  	s0 =	rddreg [dreg:$0x12];
	[sflag:s7] =	ssyncadd.s32 $0xFFFFC000  }
0xd1: {  	[tilespmem:s13], [sflag:$0x5] =	stream.strided.gather [hbm4b:s0+s8], $0x4000, s11, s8, $0x38;
	[tilespmem:$0x1C000] =	vst v63  }
0xd2: {  	_ =	swait.ge [sflag:s31], $0x4000  }
0xd3: {  	[sflag:s31] =	ssyncset.done $0x0  }
0xd4: {  	s0 =	rddreg [dreg:$0x13];
	[sflag:s31] =	ssyncadd.s32 $0xFFFFC000  }
0xd5: {  	[hbm4b:s0+s8] =	stream.strided.scatter [tilespmem:s29], [sflag:$0xD], $0x4000, s11, s8, $0x38;
	[tilespmem:$0x1C000] =	vst v63  }
0xd6: {  	_ =	swait.ge [sflag:s30], $0x4000  }
0xd7: {  	[sflag:s30] =	ssyncset.done $0x0  }
0xd8: {  	[sflag:s30] =	ssyncadd.s32 $0xFFFFC000  }
0xd9: {  	[hbm4b:s18+s8] =	stream.strided.scatter [tilespmem:s28], [sflag:$0xE], $0x4000, s11, s8, $0x38;
	[tilespmem:$0x1C000] =	vst v63  }
0xda: {  	_ =	swait.ge [sflag:s26], $0x4000  }
0xdb: {  	[sflag:s26] =	ssyncset.done $0x0  }
0xdc: {  	[sflag:s26] =	ssyncadd.s32 $0xFFFFC000  }
0xdd: {  	[hbm4b:s16+s8] =	stream.strided.scatter [tilespmem:s2], [sflag:$0x8], $0x4000, s11, s8, $0x38;
	[tilespmem:$0x1C000] =	vst v63  }
0xde: {  	_ =	swait.ge [sflag:s25], $0x4000  }
0xdf: {  	[sflag:s25] =	ssyncset.done $0x0  }
0xe0: {  	[sflag:s25] =	ssyncadd.s32 $0xFFFFC000  }
0xe1: {  	[hbm4b:s14+s8] =	stream.strided.scatter [tilespmem:s19], [sflag:$0x9], $0x4000, s11, s8, $0x38;
	[tilespmem:$0x1C000] =	vst v63  }
0xe2: {  	_ =	swait.ge [sflag:s24], $0x4000  }
0xe3: {  	[sflag:s24] =	ssyncset.done $0x0  }
0xe4: {  	[sflag:s24] =	ssyncadd.s32 $0xFFFFC000  }
0xe5: {  	[hbm4b:s12+s8] =	stream.strided.scatter [tilespmem:s17], [sflag:$0xA], $0x4000, s11, s8, $0x38;
	[tilespmem:$0x1C000] =	vst v63  }
0xe6: {  	_ =	swait.ge [sflag:s21], $0x4000  }
0xe7: {  	[sflag:s21] =	ssyncset.done $0x0  }
0xe8: {  	[sflag:s21] =	ssyncadd.s32 $0xFFFFC000  }
0xe9: {  	[hbm4b:s10+s8] =	stream.strided.scatter [tilespmem:s15], [sflag:$0xB], $0x4000, s11, s8, $0x38;
	[tilespmem:$0x1C000] =	vst v63  }
0xea: {  	_ =	swait.ge [sflag:s22], $0x4000  }
0xeb: {  	[sflag:s22] =	ssyncset.done $0x0  }
0xec: {  	[sflag:s22] =	ssyncadd.s32 $0xFFFFC000  }
0xed: {  	[hbm4b:s4+s8] =	stream.strided.scatter [tilespmem:s13], [sflag:$0xC], $0x4000, s11, s8, $0x38;
	[tilespmem:$0x1C000] =	vst v63  }
0xee: {  	_ =	swait.ge [sflag:s23], $0x4000  }
0xef: {  	[sflag:s23] =	ssyncset.done $0x0  }
0xf0: {  	[sflag:s23] =	ssyncadd.s32 $0xFFFFC000  }
0xf1: {  	_ =	swait.ge [sflag:s20], $0x4000  }
0xf2: {  	[sflag:s20] =	ssyncset.done $0x0  }
0xf3: {  	[sflag:s20] =	ssyncadd.s32 $0xFFFFC000  }
0xf4: {  	_ =	swait.ge [sflag:s9], $0x4000  }
0xf5: {  	[sflag:s9] =	ssyncset.done $0x0  }
0xf6: {  	[sflag:s9] =	ssyncadd.s32 $0xFFFFC000  }
0xf7: {  	_ =	swait.ge [sflag:s6], $0x4000  }
0xf8: {  	[sflag:s6] =	ssyncset.done $0x0  }
0xf9: {  	[sflag:s6] =	ssyncadd.s32 $0xFFFFC000  }
0xfa: {  	_ =	swait.ge [sflag:s5], $0x4000  }
0xfb: {  	[sflag:s5] =	ssyncset.done $0x0  }
0xfc: {  	p1 =	sne.s32 s1, $0x1;
	[sflag:s5] =	ssyncadd.s32 $0xFFFFC000  }
.Ltmp2:
0xfd: {  	_ =	swait.ge [sflag:s3], $0x4000;
	(pc) =	sbr.rel @p1 .LBB2_2-.Ltmp2, $4  }
0xfe: {  	[sflag:s3] =	ssyncset.done $0x0  }
0xff: {  	[sflag:s3] =	ssyncadd.s32 $0xFFFFC000  }
0x100: {  	_ =	swait.ge [sflag:s7], $0x4000  }
0x101: {  	s1 =	sadd.s32 $0xFFFFFFFF, s1;
	s0 =	rddreg [dreg:$0x2];
	[sflag:s7] =	ssyncset.done $0x0  }
.LBB2_3:
0x102: {  	[sflag:s7] =	ssyncadd.s32 @p0 $0xFFFFC000  }
0x103: {  	[tilespmem:s2], [sflag:$0x1] =	stream.strided.gather [hbm4b:s0+s8], $0x4000, s11, s8, $0x38;
	[tilespmem:$0x1C000] =	vst v63  }
0x104: {  	s1 =	rddreg [dreg:$0x3]  }
0x105: {  	[tilespmem:s19], [sflag:$0x2] =	stream.strided.gather [hbm4b:s1+s8], $0x4000, s11, s8, $0x38;
	[tilespmem:$0x1C000] =	vst v63  }
0x106: {  	s0 =	rddreg [dreg:$0x4]  }
0x107: {  	[tilespmem:s17], [sflag:$0x3] =	stream.strided.gather [hbm4b:s0+s8], $0x4000, s11, s8, $0x38;
	[tilespmem:$0x1C000] =	vst v63  }
0x108: {  	s1 =	rddreg [dreg:$0x5]  }
0x109: {  	[tilespmem:s15], [sflag:$0x4] =	stream.strided.gather [hbm4b:s1+s8], $0x4000, s11, s8, $0x38;
	[tilespmem:$0x1C000] =	vst v63  }
0x10a: {  	s0 =	rddreg [dreg:$0x6]  }
0x10b: {  	[tilespmem:s13], [sflag:$0x5] =	stream.strided.gather [hbm4b:s0+s8], $0x4000, s11, s8, $0x38;
	[tilespmem:$0x1C000] =	vst v63  }
0x10c: {  	s1 =	rddreg [dreg:$0x7]  }
0x10d: {  	[tilespmem:s29], [sflag:$0x6] =	stream.strided.gather [hbm4b:s1+s8], $0x4000, s11, s8, $0x38;
	[tilespmem:$0x1C000] =	vst v63  }
0x10e: {  	s0 =	rddreg [dreg:$0x8]  }
0x10f: {  	[tilespmem:s28], [sflag:$0x7] =	stream.strided.gather [hbm4b:s0+s8], $0x4000, s11, s8, $0x38;
	[tilespmem:$0x1C000] =	vst v63  }
0x110: {  	_ =	swait.ge [sflag:s26], $0x4000  }
0x111: {  	[sflag:s26] =	ssyncset.done $0x0  }
0x112: {  	s1 =	rddreg [dreg:$0x9];
	[sflag:s26] =	ssyncadd.s32 $0xFFFFC000  }
0x113: {  	[hbm4b:s1+s8] =	stream.strided.scatter [tilespmem:s2], [sflag:$0x8], $0x4000, s11, s8, $0x38;
	[tilespmem:$0x1C000] =	vst v63  }
0x114: {  	_ =	swait.ge [sflag:s9], $0x4000  }
0x115: {  	[sflag:s9] =	ssyncset.done $0x0  }
0x116: {  	s1 =	rddreg [dreg:$0xa];
	[sflag:s9] =	ssyncadd.s32 $0xFFFFC000  }
0x117: {  	[tilespmem:s2], [sflag:$0x1] =	stream.strided.gather [hbm4b:s1+s8], $0x4000, s11, s8, $0x38;
	[tilespmem:$0x1C000] =	vst v63  }
0x118: {  	_ =	swait.ge [sflag:s25], $0x4000  }
0x119: {  	[sflag:s25] =	ssyncset.done $0x0  }
0x11a: {  	s1 =	rddreg [dreg:$0xb];
	[sflag:s25] =	ssyncadd.s32 $0xFFFFC000  }
0x11b: {  	[hbm4b:s1+s8] =	stream.strided.scatter [tilespmem:s19], [sflag:$0x9], $0x4000, s11, s8, $0x38;
	[tilespmem:$0x1C000] =	vst v63  }
0x11c: {  	_ =	swait.ge [sflag:s6], $0x4000  }
0x11d: {  	[sflag:s6] =	ssyncset.done $0x0  }
0x11e: {  	s1 =	rddreg [dreg:$0xc];
	[sflag:s6] =	ssyncadd.s32 $0xFFFFC000  }
0x11f: {  	[tilespmem:s19], [sflag:$0x2] =	stream.strided.gather [hbm4b:s1+s8], $0x4000, s11, s8, $0x38;
	[tilespmem:$0x1C000] =	vst v63  }
0x120: {  	_ =	swait.ge [sflag:s24], $0x4000  }
0x121: {  	[sflag:s24] =	ssyncset.done $0x0  }
0x122: {  	s1 =	rddreg [dreg:$0xd];
	[sflag:s24] =	ssyncadd.s32 $0xFFFFC000  }
0x123: {  	[hbm4b:s1+s8] =	stream.strided.scatter [tilespmem:s17], [sflag:$0xA], $0x4000, s11, s8, $0x38;
	[tilespmem:$0x1C000] =	vst v63  }
0x124: {  	_ =	swait.ge [sflag:s5], $0x4000  }
0x125: {  	[sflag:s5] =	ssyncset.done $0x0  }
0x126: {  	s1 =	rddreg [dreg:$0xe];
	[sflag:s5] =	ssyncadd.s32 $0xFFFFC000  }
0x127: {  	[tilespmem:s17], [sflag:$0x3] =	stream.strided.gather [hbm4b:s1+s8], $0x4000, s11, s8, $0x38;
	[tilespmem:$0x1C000] =	vst v63  }
0x128: {  	_ =	swait.ge [sflag:s21], $0x4000  }
0x129: {  	[sflag:s21] =	ssyncset.done $0x0  }
0x12a: {  	s1 =	rddreg [dreg:$0xf];
	[sflag:s21] =	ssyncadd.s32 $0xFFFFC000  }
0x12b: {  	[hbm4b:s1+s8] =	stream.strided.scatter [tilespmem:s15], [sflag:$0xB], $0x4000, s11, s8, $0x38;
	[tilespmem:$0x1C000] =	vst v63  }
0x12c: {  	_ =	swait.ge [sflag:s3], $0x4000  }
0x12d: {  	[sflag:s3] =	ssyncset.done $0x0  }
0x12e: {  	s1 =	rddreg [dreg:$0x10];
	[sflag:s3] =	ssyncadd.s32 $0xFFFFC000  }
0x12f: {  	[tilespmem:s15], [sflag:$0x4] =	stream.strided.gather [hbm4b:s1+s8], $0x4000, s11, s8, $0x38;
	[tilespmem:$0x1C000] =	vst v63  }
0x130: {  	_ =	swait.ge [sflag:s22], $0x4000  }
0x131: {  	[sflag:s22] =	ssyncset.done $0x0  }
0x132: {  	s1 =	rddreg [dreg:$0x11];
	[sflag:s22] =	ssyncadd.s32 $0xFFFFC000  }
0x133: {  	[hbm4b:s1+s8] =	stream.strided.scatter [tilespmem:s13], [sflag:$0xC], $0x4000, s11, s8, $0x38;
	[tilespmem:$0x1C000] =	vst v63  }
0x134: {  	_ =	swait.ge [sflag:s7], $0x4000  }
0x135: {  	[sflag:s7] =	ssyncset.done $0x0  }
0x136: {  	s1 =	rddreg [dreg:$0x12];
	[sflag:s7] =	ssyncadd.s32 $0xFFFFC000  }
0x137: {  	[tilespmem:s13], [sflag:$0x5] =	stream.strided.gather [hbm4b:s1+s8], $0x4000, s11, s8, $0x38;
	[tilespmem:$0x1C000] =	vst v63  }
0x138: {  	_ =	swait.ge [sflag:s31], $0x4000  }
0x139: {  	[sflag:s31] =	ssyncset.done $0x0  }
0x13a: {  	s1 =	rddreg [dreg:$0x13];
	[sflag:s31] =	ssyncadd.s32 $0xFFFFC000  }
0x13b: {  	[hbm4b:s1+s8] =	stream.strided.scatter [tilespmem:s29], [sflag:$0xD], $0x4000, s11, s8, $0x38;
	[tilespmem:$0x1C000] =	vst v63  }
0x13c: {  	_ =	swait.ge [sflag:s30], $0x4000  }
0x13d: {  	[sflag:s30] =	ssyncset.done $0x0  }
0x13e: {  	[sflag:s30] =	ssyncadd.s32 $0xFFFFC000  }
0x13f: {  	[hbm4b:s18+s8] =	stream.strided.scatter [tilespmem:s28], [sflag:$0xE], $0x4000, s11, s8, $0x38;
	[tilespmem:$0x1C000] =	vst v63  }
0x140: {  	_ =	swait.ge [sflag:s26], $0x4000  }
0x141: {  	[sflag:s26] =	ssyncset.done $0x0  }
0x142: {  	[sflag:s26] =	ssyncadd.s32 $0xFFFFC000  }
0x143: {  	[hbm4b:s16+s8] =	stream.strided.scatter [tilespmem:s2], [sflag:$0x8], $0x4000, s11, s8, $0x38;
	[tilespmem:$0x1C000] =	vst v63  }
0x144: {  	_ =	swait.ge [sflag:s25], $0x4000  }
0x145: {  	[sflag:s25] =	ssyncset.done $0x0  }
0x146: {  	[sflag:s25] =	ssyncadd.s32 $0xFFFFC000  }
0x147: {  	[hbm4b:s14+s8] =	stream.strided.scatter [tilespmem:s19], [sflag:$0x9], $0x4000, s11, s8, $0x38;
	[tilespmem:$0x1C000] =	vst v63  }
0x148: {  	_ =	swait.ge [sflag:s24], $0x4000  }
0x149: {  	[sflag:s24] =	ssyncset.done $0x0  }
0x14a: {  	[sflag:s24] =	ssyncadd.s32 $0xFFFFC000  }
0x14b: {  	[hbm4b:s12+s8] =	stream.strided.scatter [tilespmem:s17], [sflag:$0xA], $0x4000, s11, s8, $0x38;
	[tilespmem:$0x1C000] =	vst v63  }
0x14c: {  	_ =	swait.ge [sflag:s21], $0x4000  }
0x14d: {  	[sflag:s21] =	ssyncset.done $0x0  }
0x14e: {  	[sflag:s21] =	ssyncadd.s32 $0xFFFFC000  }
0x14f: {  	[hbm4b:s10+s8] =	stream.strided.scatter [tilespmem:s15], [sflag:$0xB], $0x4000, s11, s8, $0x38;
	[tilespmem:$0x1C000] =	vst v63  }
0x150: {  	_ =	swait.ge [sflag:s22], $0x4000  }
0x151: {  	[sflag:s22] =	ssyncset.done $0x0  }
0x152: {  	[sflag:s22] =	ssyncadd.s32 $0xFFFFC000  }
0x153: {  	[hbm4b:s4+s8] =	stream.strided.scatter [tilespmem:s13], [sflag:$0xC], $0x4000, s11, s8, $0x38;
	[tilespmem:$0x1C000] =	vst v63  }
0x154: {  	_ =	swait.ge [sflag:s23], $0x4000  }
0x155: {  	[sflag:s23] =	ssyncset.done $0x0  }
0x156: {  	[sflag:s23] =	ssyncadd.s32 $0xFFFFC000  }
0x157: {  	_ =	swait.ge [sflag:s20], $0x4000  }
0x158: {  	[sflag:s20] =	ssyncset.done $0x0  }
0x159: {  	[sflag:s20] =	ssyncadd.s32 $0xFFFFC000  }
0x15a: {  	_ =	swait.ge [sflag:s9], $0x4000  }
0x15b: {  	[sflag:s9] =	ssyncset.done $0x0  }
0x15c: {  	[sflag:s9] =	ssyncadd.s32 $0xFFFFC000  }
0x15d: {  	_ =	swait.ge [sflag:s6], $0x4000  }
0x15e: {  	[sflag:s6] =	ssyncset.done $0x0  }
0x15f: {  	[sflag:s6] =	ssyncadd.s32 $0xFFFFC000  }
0x160: {  	_ =	swait.ge [sflag:s5], $0x4000  }
0x161: {  	[sflag:s5] =	ssyncset.done $0x0  }
0x162: {  	[sflag:s5] =	ssyncadd.s32 $0xFFFFC000  }
0x163: {  	_ =	swait.ge [sflag:s3], $0x4000  }
0x164: {  	[sflag:s3] =	ssyncset.done $0x0  }
0x165: {  	[sflag:s3] =	ssyncadd.s32 $0xFFFFC000  }
0x166: {  	_ =	swait.ge [sflag:s7], $0x4000  }
0x167: {  	[sflag:s7] =	ssyncset.done $0x0  }
0x168: {  	[sflag:s7] =	ssyncadd.s32 $0xFFFFC000  }
0x169: {  	_ =	sfence.sel $0x180000  }
0x16a: {  	[bflag:$0x0] =	sbarrier.arrive $0xFFFF  }
0x16b: {  	_ =	strace $0x9000004A  }
0x16c: {  	s31 =	stileid.u32;
	[bflag:$0x2] =	sbarrier.arrive $0xFFFF  }
0x16d: {  	p0 =	sne.s32 s31, $0x0;
	s0 =	rddreg [dreg:$0x1]  }
0x16e: {  	s0 =	sadd.s32 @!p0 $0x100000, s0  }
0x16f: {  	[sflag:s0] =	ssyncadd.tile.s32 @!p0 $0x1;
	_ =	shalt  }
.Lfunc_end2:
_tile_overlayer_lowered:
.L_overlay_start_2:
0x170: {  	(tag) =	ssettag $0x2  }
0x171: {  	s0 =	rddreg [dreg:$0x0];
	s2 =	stileid.u32  }
0x172: {  	s1 =	rddreg [dreg:$0x1];
	p0 =	sne.s32 s2, $0x0  }
0x173: {  	s3 =	rddreg [dreg:$0x2];
	[bflag:$0x3] =	sbarrier.arrive $0xFFFF;
	s2 =	simm.s32 @!p0 $0x1C0F  }
0x174: {  	[timem:s3], [sflag:s2] =	dma.local @!p0 [hbm:s0], s1  }
0x175: {  	s0 =	simm.s32 @!p0 $0xF  }
0x176: {  	_ =	swait.ge @!p0 [sflag:s0], s1  }
0x177: {  	s1 =	ssub.s32 @!p0 $0x0, s1;
	[sflag:s0] =	ssyncset.done @!p0 $0x0  }
0x178: {  	[sflag:s0] =	ssyncadd.s32 @!p0 s1  }
0x179: {  	[bflag:$0x3] =	sbarrier.arrive $0xFFFF  }
0x17a: {  	_ =	shalt  }

// kernel: sparse-core-data-format-call.cloned.1.call-start
scs
called_computation_lowered:
.L_overlay_start_0:
0x0: {  	s2 =	sld [smem:$0x3FD9]  }
0x1: {  	s3 =	sld [smem:$0x3FFE];
	_ =	sdelay $0x1  }
0x2: {  	s1 =	srdreg.scid  }
0x3: {  	s0 =	sand.u32 $0x1, s1  }
0x4: {  	s18 =	sshll.u32 s0, $0xA;
	s2 =	sadd.s32 s3, s2  }
0x5: {  	s2 =	sadd.s32 s2, s18  }
0x6: {  	[smem:$0x3FC7] =	sst s2  }
0x7: {  	_ = 	snop  }
0x8: {  	s2 =	sld [smem:$0x3FC9];
	(tm) =	ssettm $0x1  }
0x9: {  	s19 =	sld [smem:$0x3FFB];
	_ =	sdelay $0x3  }
0xa: {  	_ =	strace s19  }
0xb: {  	s3 =	sld [smem:$0x3FFC];
	_ =	sdelay $0x3  }
0xc: {  	_ =	strace s3  }
0xd: {  	s3 =	sld [smem:$0x3FFD];
	_ =	sdelay $0x3  }
0xe: {  	_ =	strace s3  }
0xf: {  	_ =	strace $0x8FFFFFFF  }
0x10: {  	s20 =	sld [smem:$0x3FDB];
	_ =	sdelay $0x1  }
0x11: {  	s4 =	simm.s32 $_scs_section_size  }
0x12: {  	s5 =	simm.s32 $_size__tile_overlayer_lowered;
	s6 =	simm.s32 $_tile_overlayer_lowered  }
0x13: {  	s23 =	simm.s32 $0x1BFF;
	s22 =	sshll.u32 s6, $0x1;
	s3 =	sadd.s32 s4, s20  }
0x14: {  	s7 =	simm.s32 $0x0;
	s21 =	sshll.u32 s5, $0x1;
	s5 =	sadd.s32 s22, s3  }
0x15: {  	[timem:s7], [sflag:s23] =	dma.local [hbm:s5], s21  }
0x16: {  	_ =	swait.ge [sflag:s23], s21  }
0x17: {  	s4 =	ssub.s32 $0x0, s21;
	[sflag:s23] =	ssyncset.done $0x0  }
0x18: {  	[sflag:s23] =	ssyncadd.s32 s4;
	_ =	sdelay $0x1  }
0x19: {  	s24 =	simm.s32 $0x1B8B  }
0x1a: {  	_ =	swait.ge [sflag:s24], $0x1  }
0x1b: {  	[sflag:s24] =	ssyncset.done $0x0  }
0x1c: {  	s26 =	simm.s32 $0x1B8E;
	s25 =	sld [smem:$0x3FFE];
	[sflag:s24] =	ssyncadd.s32 $0xFFFFFFFF  }
0x1d: {  	s27 =	simm.s32 $execute0_lowered;
	[smem:$0x3FD2] =	sst s26  }
0x1e: {  	s5 =	sshll.u32 s27, $0x1;
	_ =	strace $0x80000046;
	[dreg:$0x1] =	wrdreg $0xFFFFFFFF  }
0x1f: {  	s28 =	simm.s32 $_size_execute0_lowered;
	s3 =	sadd.s32 s3, s5;
	[dreg:$0x0] =	wrdreg $0x0  }
0x20: {  	s5 =	sshll.u32 s28, $0x1;
	[dreg:$0x2] =	wrdreg s3  }
0x21: {  	[dreg:$0x3] =	wrdreg s5  }
0x22: {  	[dreg:$0x4] =	wrdreg $0xC0  }
0x23: {  	_ =	task [dreg:s7], $0x5FFFF  }
0x24: {  	[dreg:$0x1] =	wrdreg $0xFFFFFFFF  }
0x25: {  	[dreg:$0x0] =	wrdreg $0x60  }
0x26: {  	[dreg:$0x2] =	wrdreg s2  }
0x27: {  	[dreg:$0x3] =	wrdreg s25  }
0x28: {  	[dreg:$0x4] =	wrdreg $0x9  }
0x29: {  	_ =	task.clear_ibuf [dreg:s7], $0x5FFFF;
	_ =	strace $0x90000046  }
0x2a: {  	s29 =	simm.s32 $0x9;
	_ =	strace $0x80000048  }
0x2b: {  	_ =	swait.ge [sflag:s29], $0x1  }
0x2c: {  	[sflag:s29] =	ssyncadd.s32 $0xFFFFFFFF  }
0x2d: {  	_ =	strace $0x90000048  }
0x2e: {  	_ =	sfence  }
0x2f: {  	s30 =	sld [smem:$0x0];
	_ =	sdelay $0x2  }
0x30: {  	s31 =	sshll.u32 s1, $0xD;
	s1 =	sshrl.u32 s1, $0x2  }
0x31: {  	s3 =	sand.u32 $0x4000, s31;
	s1 =	sadd.s32 s1, s30  }
0x32: {  	s0 =	sor.u32 s3, s0;
	s1 =	sshll.u32 s1, $0x11  }
0x33: {  	s0 =	sor.u32 s1, s0  }
0x34: {  	s0 =	sadd.s32 $0x8F2B, s0  }
0x35: {  	[sflag:s0] =	ssyncadd.remote.s32 $0x1  }
0x36: {  	_ =	sfence.sel $0xFFFF  }
0x37: {  	[dreg:$0x0] =	wrdreg $0xFFFFFFFF;
	(pc) =	sbr.abs _section_cstart, $3  }
0x38: {  	[dreg:$0x1] =	wrdreg $0xFFFFFFFF  }
0x39: {  	_ =	task.clear_ibuf [dreg:s7], $0x2FFFF;
	_ =	strace $0x9FFFFFFF  }
0x3a: {  	(tm) =	ssettm $0x7FFFFFFF  }
0x3b: {  	_ =	shalt  }
tec
execute0_lowered:
.L_overlay_start_1:
0x0: {  	(tag) =	ssettag $0x1  }
0x1: {  	s0 =	stileid.u32;
	s8 =	rddreg [dreg:$0x0]  }
0x2: {  	s1 =	srdreg.scid;
	s5 =	rddreg [dreg:$0x1];
	s10 =	simm.s32 $0x2  }
0x3: {  	s15 =	simm.s32 $0x0;
	s12 =	simm.s32 $0x0;
	s16 =	simm.s32 $0x0  }
0x4: {  	s18 =	simm.s32 $0x0;
	s2 =	sshll.u32 s0, $0x4;
	s3 =	sshll.u32 s1, $0x7  }
0x5: {  	s17 =	simm.s32 $0x0;
	s1 =	sand.u32 $0x80, s2;
	s3 =	sand.u32 $0x80, s3  }
0x6: {  	s13 =	simm.s32 $0x0;
	s2 =	ssub.s32 $0x100, s1;
	s4 =	ssub.s32 $0x100, s3  }
0x7: {  	s6 =	sshrl.u32 s2, $0x8;
	s2 =	sshrl.u32 s2, $0x7;
	s7 =	sshrl.u32 s4, $0x7  }
0x8: {  	s4 =	sshrl.u32 s4, $0x8;
	s9 =	sand.u32 $0x1, s2;
	s7 =	sand.u32 $0x1, s7  }
0x9: {  	s14 =	simm.s32 $0x0;
	s6 =	sadd.s32 s6, s9;
	s7 =	sadd.s32 s4, s7  }
0xa: {  	s5 =	sadd.s32 $0x800, s5;
	s8 =	sadd.s32 s3, s8;
	s7 =	smul.u32 s7, s6  }
.Ltmp0:
0xb: {  	s11 =	sshll.u32 s1, $0x5;
	s2 =	rddreg [dreg:$0x2];
	(pc) =	sbr.rel .LBB1_1-.Ltmp0, $4  }
0xc: {  	_ =	strace $0x80000047;
	s4 =	simm.s32 $0x1;
	s6 =	sand.u32 $0x7, s0  }
0xd: {  	[sflag:s4] =	ssyncpa.u1 $0x0;
	s31 =	sshll.u32 s6, $0xD;
	s7 =	smul.u32 $0x30, s7  }
0xe: {  	[sflag:s10] =	ssyncpa.u1 $0x0;
	s10 =	simm.s32 $0x80;
	s8 =	sadd.s32 s8, s31  }
0xf: {  	s8 =	sadd.s32 s11, s8;
	s11 =	simm.s32 $0x800;
	s9 =	sor.u32 $0x1, s7  }
.LBB1_4:
0x10: {  	_ =	sdelay $0x3  }
0x11: {  	[tilespmem:v0+s20+$0xFFFFFFA0 ss:$0x1] =	vst.idx.msk $0xffff, v6  }
0x12: {  	v56 =	vld.idx.msk [tilespmem:v1+s21+$0x30 ss:$0x1], $0xffff;
	[tilespmem:v0+s20+$0xFFFFFFB0 ss:$0x1] =	vst.idx.msk $0xffff, v4  }
0x13: {  	v57 =	vld.idx.msk [tilespmem:v1+s21+$0xFFFFFFC0 ss:$0x1], $0xffff;
	[tilespmem:v0+s20+$0xFFFFFFC0 ss:$0x1] =	vst.idx.msk $0xffff, v2  }
0x14: {  	v58 =	vld.idx.msk [tilespmem:v1+s21+$0xFFFFFFD0 ss:$0x1], $0xffff;
	[tilespmem:v0+s20+$0xFFFFFFD0 ss:$0x1] =	vst.idx.msk $0xffff, v3  }
0x15: {  	v59 =	vld.idx.msk [tilespmem:v1+s21+$0xFFFFFFE0 ss:$0x1], $0xffff;
	[tilespmem:v0+s20+$0xFFFFFFE0 ss:$0x1] =	vst.idx.msk $0xffff, v5  }
0x16: {  	v60 =	vld.idx.msk [tilespmem:v1+s21+$0xFFFFFFF0 ss:$0x1], $0xffff;
	[tilespmem:v0+s20+$0xFFFFFFF0 ss:$0x1] =	vst.idx.msk $0xffff, v7  }
0x17: {  	v61 =	vld.idx.msk [tilespmem:v1+s21+$0x0 ss:$0x1], $0xffff;
	[tilespmem:v0+s21+$0x0 ss:$0x1] =	vst.idx.msk $0xffff, v56  }
0x18: {  	v62 =	vld.idx.msk [tilespmem:v1+s21+$0x10 ss:$0x1], $0xffff;
	[tilespmem:v0+s21+$0xFFFFFF90 ss:$0x1] =	vst.idx.msk $0xffff, v57  }
0x19: {  	v63 =	vld.idx.msk [tilespmem:v1+s21+$0x20 ss:$0x1], $0xffff;
	[tilespmem:v0+s21+$0xFFFFFFA0 ss:$0x1] =	vst.idx.msk $0xffff, v58  }
0x1a: {  	s17 =	sshll.u32 s17, $0x10;
	[tilespmem:v0+s21+$0xFFFFFFB0 ss:$0x1] =	vst.idx.msk $0xffff, v59  }
0x1b: {  	s18 =	sshll.u32 s18, $0x4;
	s17 =	sadd.s32 s5, s17;
	[tilespmem:v0+s21+$0xFFFFFFC0 ss:$0x1] =	vst.idx.msk $0xffff, v60  }
0x1c: {  	s17 =	sadd.s32 s18, s17;
	[tilespmem:v0+s21+$0xFFFFFFD0 ss:$0x1] =	vst.idx.msk $0xffff, v61  }
0x1d: {  	s16 =	sshll.u32 s16, $0x8;
	s15 =	sadd.s32 s15, s17;
	[tilespmem:v0+s21+$0xFFFFFFE0 ss:$0x1] =	vst.idx.msk $0xffff, v62  }
0x1e: {  	s15 =	sadd.s32 s16, s15;
	[tilespmem:v0+s21+$0xFFFFFFF0 ss:$0x1] =	vst.idx.msk $0xffff, v63  }
0x1f: {  	[hbm4b:s15+s10] =	stream.strided.scatter [tilespmem:s19], [sflag:$0x2], $0x4000, s11, s10, $0x38;
	[tilespmem:$0x10000] =	vst v63  }
.LBB1_5:
0x20: {  	s19 =	sadd.s32 $0x1, s13  }
0x21: {  	p1 =	sgt.s32 s19, $0x2F  }
0x22: {  	s19 =	simm.s32 @p1 $0x0;
	p1 =	sne.s32 s14, s9  }
.Ltmp1:
0x23: {  	p0 =	slt.u32 s14, $0x2;
	(pc) =	sbr.rel @!p1 .LBB1_6-.Ltmp1, $4  }
0x24: {  	s20 =	sadd.s32 $0x1, s14;
	s17 =	smov.u32 s13;
	s15 =	simm.s32 @!p0 $0x2  }
0x25: {  	s12 =	sadd.s32 $0x4000, s12;
	s16 =	smov.u32 s1;
	_ =	swait.ge @!p0 [sflag:s15], $0x4000  }
0x26: {  	s18 =	smov.u32 s6;
	s14 =	smov.u32 s20;
	[sflag:s15] =	ssyncset.done @!p0 $0x0  }
0x27: {  	s13 =	smov.u32 s19;
	[sflag:s15] =	ssyncadd.s32 @!p0 $0xFFFFC000;
	s15 =	smov.u32 s3  }
.LBB1_1:
0x28: {  	p0 =	sge.u32 s14, s7  }
0x29: {  	s31 =	sadd.s32 $0xFFFFFFFF, s14;
	s19 =	sxor.u32 @!p0 $0xFFFFFFFF, s14  }
0x2a: {  	s20 =	sshll.u32 @!p0 s13, $0x10;
	s21 =	simm.s32 @!p0 $0x400;
	s19 =	sshll.u32 @!p0 s19, $0xE  }
0x2b: {  	s22 =	simm.s32 @!p0 $0x800;
	s20 =	sadd.s32 @!p0 s20, s8;
	s19 =	sand.u32 @!p0 $0x4000, s19  }
0x2c: {  	[tilespmem:s19], [sflag:$0x1] =	stream.strided.gather @!p0 [hbm4b:s20+s21], $0x4000, s22, s21, $0x38;
	[tilespmem:$0x10000] =	vst v63  }
0x2d: {  	p0 =	sge.u32 s31, s7  }
.Ltmp2:
0x2e: {  	_ = 	snop;
	(pc) =	sbr.rel @p0 .LBB1_5-.Ltmp2, $1  }
0x2f: {  	_ =	sdelay $0x3  }
0x30: {  	s19 =	sand.u32 $0x4000, s12  }
0x31: {  	s20 =	sor.u32 $0x40, s19  }
0x32: {  	v1 =	vmov s20;
	_ =	sdelay $0x1  }
0x33: {  	_ =	swait.ge [sflag:s4], $0x4000  }
0x34: {  	[sflag:s4] =	ssyncset.done $0x0  }
0x35: {  	[sflag:s4] =	ssyncadd.s32 $0xFFFFC000;
	s20 =	simm.s32 $0x0  }
0x36: {  	s19 =	sor.u32 $0x8070, s19;
	v7 =	vld.idx.msk [tilespmem:v1+s20+$0x30 ss:$0x1], $0xffff  }
0x37: {  	v0 =	vmov s19;
	v8 =	vld.idx.msk [tilespmem:v1+s20+$0xFFFFFFC0 ss:$0x1], $0xffff  }
0x38: {  	v6 =	vld.idx.msk [tilespmem:v1+s20+$0xFFFFFFD0 ss:$0x1], $0xffff  }
0x39: {  	v4 =	vld.idx.msk [tilespmem:v1+s20+$0xFFFFFFE0 ss:$0x1], $0xffff  }
0x3a: {  	v2 =	vld.idx.msk [tilespmem:v1+s20+$0xFFFFFFF0 ss:$0x1], $0xffff  }
0x3b: {  	s31 =	sshll.u32 s14, $0xE;
	v3 =	vld.idx.msk [tilespmem:v1+s20+$0x0 ss:$0x1], $0xffff  }
0x3c: {  	s19 =	sand.u32 $0x4000, s31;
	v5 =	vld.idx.msk [tilespmem:v1+s20+$0x10 ss:$0x1], $0xffff;
	[tilespmem:v0+s20+$0x0 ss:$0x1] =	vst.idx.msk $0xffff, v7  }
0x3d: {  	s21 =	simm.s32 $0x80;
	s22 =	simm.s32 $0x400;
	s19 =	sor.u32 $0x8000, s19;
	[tilespmem:v0+s20+$0xFFFFFF90 ss:$0x1] =	vst.idx.msk $0xffff, v8;
	v7 =	vld.idx.msk [tilespmem:v1+s20+$0x20 ss:$0x1], $0xffff  }
.LBB1_3:
0x3e: {  	p0 =	sne.s32 s22, $0xFE00;
	v8 =	vld.idx.msk [tilespmem:v1+s21+$0x30 ss:$0x1], $0xffff;
	[tilespmem:v0+s20+$0xFFFFFFA0 ss:$0x1] =	vst.idx.msk $0xffff, v6  }
0x3f: {  	v9 =	vld.idx.msk [tilespmem:v1+s21+$0xFFFFFFC0 ss:$0x1], $0xffff;
	[tilespmem:v0+s20+$0xFFFFFFB0 ss:$0x1] =	vst.idx.msk $0xffff, v4  }
0x40: {  	v6 =	vld.idx.msk [tilespmem:v1+s21+$0xFFFFFFD0 ss:$0x1], $0xffff;
	[tilespmem:v0+s20+$0xFFFFFFC0 ss:$0x1] =	vst.idx.msk $0xffff, v2  }
.Ltmp3:
0x41: {  	v4 =	vld.idx.msk [tilespmem:v1+s21+$0xFFFFFFE0 ss:$0x1], $0xffff;
	[tilespmem:v0+s20+$0xFFFFFFD0 ss:$0x1] =	vst.idx.msk $0xffff, v3;
	(pc) =	sbr.rel @p0 .LBB1_3-.Ltmp3, $4  }
0x42: {  	v2 =	vld.idx.msk [tilespmem:v1+s21+$0xFFFFFFF0 ss:$0x1], $0xffff;
	[tilespmem:v0+s20+$0xFFFFFFE0 ss:$0x1] =	vst.idx.msk $0xffff, v5  }
0x43: {  	v3 =	vld.idx.msk [tilespmem:v1+s21+$0x0 ss:$0x1], $0xffff;
	[tilespmem:v0+s20+$0xFFFFFFF0 ss:$0x1] =	vst.idx.msk $0xffff, v7;
	s20 =	smov.u32 s21  }
0x44: {  	v5 =	vld.idx.msk [tilespmem:v1+s20+$0x10 ss:$0x1], $0xffff;
	[tilespmem:v0+s20+$0x0 ss:$0x1] =	vst.idx.msk $0xffff, v8  }
0x45: {  	s21 =	sshra.s32 s22, $0x2;
	s22 =	sadd.s32 $0x200, s22;
	[tilespmem:v0+s20+$0xFFFFFF90 ss:$0x1] =	vst.idx.msk $0xffff, v9;
	v7 =	vld.idx.msk [tilespmem:v1+s20+$0x20 ss:$0x1], $0xffff  }
.Ltmp4:
0x46: {  	_ = 	snop;
	(pc) =	sbr.rel .LBB1_4-.Ltmp4, $1  }
0x47: {  	_ =	sdelay $0x3  }
.LBB1_6:
0x48: {  	_ =	sfence.sel $0x180000  }
0x49: {  	s1 =	simm.s32 $0x1;
	[bflag:$0x0] =	sbarrier.arrive $0xFFFF  }
0x4a: {  	s31 =	simm.s32 $0x2;
	[sflag:s1] =	ssyncpa.u1 $0x1  }
0x4b: {  	[sflag:s31] =	ssyncpa.u1 $0x1  }
0x4c: {  	p0 =	sne.s32 s0, $0x0;
	_ =	strace $0x90000047  }
0x4d: {  	s0 =	sadd.s32 @!p0 $0x100000, s2;
	[bflag:$0x2] =	sbarrier.arrive $0xFFFF  }
0x4e: {  	[sflag:s0] =	ssyncadd.tile.s32 @!p0 $0x1;
	_ =	shalt  }
.Lfunc_end1:
_tile_overlayer_lowered:
.L_overlay_start_2:
0x4f: {  	(tag) =	ssettag $0x2  }
0x50: {  	s0 =	rddreg [dreg:$0x0];
	s2 =	stileid.u32  }
0x51: {  	s1 =	rddreg [dreg:$0x1];
	p0 =	sne.s32 s2, $0x0  }
0x52: {  	s3 =	rddreg [dreg:$0x2];
	[bflag:$0x3] =	sbarrier.arrive $0xFFFF;
	s2 =	simm.s32 @!p0 $0x1C01  }
0x53: {  	[timem:s3], [sflag:s2] =	dma.local @!p0 [hbm:s0], s1  }
0x54: {  	s0 =	simm.s32 @!p0 $0x1  }
0x55: {  	_ =	swait.ge @!p0 [sflag:s0], s1  }
0x56: {  	s1 =	ssub.s32 @!p0 $0x0, s1;
	[sflag:s0] =	ssyncset.done @!p0 $0x0  }
0x57: {  	[sflag:s0] =	ssyncadd.s32 @!p0 s1  }
0x58: {  	[bflag:$0x3] =	sbarrier.arrive $0xFFFF  }
0x59: {  	_ =	shalt  }

</sc_bundles>
